<compile_context>
chip_gen: v7x
topology: tpu7x:2x2x1
jax: 0.10.2.dev20260603
libtpu: 0.0.44.dev20260713+nightly
codegen_flags: <defaults>
</compile_context>

<pallas_src>
import functools

import jax
import jax.numpy as jnp
from jax import lax
from jax.experimental import pallas as pl
from jax.experimental.pallas import tpu as pltpu
from jax.experimental.pallas import tpu_sc as plsc

_NC = 2
_NS = 16
_NW = _NC * _NS

_NB = 4
_GS = 2
_C = 400


@functools.lru_cache(maxsize=None)
def _make_gather(V, D, N):
    n = N // _NW
    G = n // _C
    M = G // _NB
    mesh = plsc.VectorSubcoreMesh(core_axis_name="c", subcore_axis_name="s")

    @functools.partial(
        pl.kernel,
        mesh=mesh,
        out_type=jax.ShapeDtypeStruct((N, 128), jnp.float32),
        scratch_types=[
            pltpu.VMEM((n,), jnp.int32),
            pltpu.VMEM((_NB, _C, D), jnp.float32),
            pltpu.SemaphoreType.DMA,
            pltpu.SemaphoreType.DMA,
            pltpu.SemaphoreType.DMA,
            pltpu.SemaphoreType.DMA,
            pltpu.SemaphoreType.DMA,
            pltpu.SemaphoreType.DMA,
            pltpu.SemaphoreType.DMA,
            pltpu.SemaphoreType.DMA,
        ],
        compiler_params=pltpu.CompilerParams(use_tc_tiling_on_sc=False),
    )
    def k(table_hbm, idx_hbm, out_hbm, idx_v, rows_v, *sems):
        gsem = sems[:_NB]
        osem = sems[_NB:]
        wid = lax.axis_index("s") * _NC + lax.axis_index("c")
        base = wid * n
        pltpu.sync_copy(idx_hbm.at[pl.ds(base, n)], idx_v)

        def fire_gather(cur, b):
            pltpu.async_copy(
                table_hbm.at[idx_v.at[pl.ds(cur * _C, _C)]],
                rows_v.at[b],
                gsem[b],
            )

        def wait_gather(b):
            pltpu.make_async_copy(
                out_hbm.at[pl.ds(0, _C), pl.ds(0, D)], rows_v.at[b], gsem[b]
            ).wait()

        def fire_write(cur, b):
            pltpu.async_copy(
                rows_v.at[b],
                out_hbm.at[pl.ds(base + cur * _C, _C), pl.ds(0, D)],
                osem[b],
            )

        def wait_write(b):
            pltpu.make_async_copy(
                rows_v.at[b], out_hbm.at[pl.ds(0, _C), pl.ds(0, D)], osem[b]
            ).wait()

        for b in range(_NB):
            fire_gather(b, b)
            if b >= _GS:
                wait_gather(b - _GS)
                fire_write(b - _GS, b - _GS)

        def body(r, carry):
            for b in range(_NB):
                bj = (b - _GS) % _NB
                i = r * _NB + b
                wait_write(b)
                fire_gather(i, b)
                wait_gather(bj)
                fire_write(i - _GS, bj)
            return carry

        lax.fori_loop(1, M, body, 0)

        for c in range(M * _NB - _GS, M * _NB):
            wait_gather(c % _NB)
            fire_write(c, c % _NB)
        for b in range(_NB):
            wait_write(b)

    return k


def kernel(idx_texts, embed_table):
    B, S = idx_texts.shape
    V, D = embed_table.shape
    table = lax.optimization_barrier(embed_table.reshape(V * D)).reshape(V, D)
    out = _make_gather(V, D, B * S)(table, idx_texts.reshape(B * S))
    return out.reshape(B, S, 128)[:, :, :D]

# --- scband reference (transcript-rebuilt; emitter-appended) ---
"""Pipeline reference for scband-word-embedding-10969346474384 (READ-ONLY COPY).

The authoritative reference and input builder live on the scoring server;
editing this copy changes nothing except your own understanding.
"""

import jax, jax.numpy as jnp
import numpy as np

VOCAB = 1000000
EMBED_DIM = 64
BATCH = 4096
SEQ_LEN = 200


def setup_inputs(seed: int = 0) -> dict:
    key = jax.random.key(seed)
    k_idx, k_tab = jax.random.split(key)
    idx_texts = jax.random.randint(k_idx, (BATCH, SEQ_LEN), 0, VOCAB, dtype=jnp.int64 if jax.config.jax_enable_x64 else jnp.int32).astype(jnp.int32)
    embed_table = jax.random.normal(k_tab, (VOCAB, EMBED_DIM), dtype=jnp.float32) * 0.02
    return {"idx_texts": idx_texts, "embed_table": embed_table}


def reference(idx_texts, embed_table):
    # Faithful translation of nn.Embedding forward: row gather from the table.
    return jnp.take(embed_table, idx_texts, axis=0)

if __name__ == "__main__":
    import jax
    _d = setup_inputs()
    print(jax.jit(kernel)(*tuple(_d.values())))

</pallas_src>

<mosaic_0001>
#map = affine_map<(d0, d1) -> (0, 0)>
#map1 = affine_map<(d0, d1) -> (0)>
module attributes {stable_mosaic.version = 14 : i64} {
  func.func @k(%arg0: i32, %arg1: i32, %arg2: memref<1000000x64xf32, #tpu.memory_space<hbm>>, %arg3: memref<819200xi32, #tpu.memory_space<hbm>>, %arg4: memref<819200x128xf32, #tpu.memory_space<hbm>>, %arg5: memref<25600xi32, #tpu.memory_space<vmem>>, %arg6: memref<4x400x64xf32, #tpu.memory_space<vmem>>, %arg7: memref<!tpu.dma_semaphore, #tpu.memory_space<semaphore_mem>>, %arg8: memref<!tpu.dma_semaphore, #tpu.memory_space<semaphore_mem>>, %arg9: memref<!tpu.dma_semaphore, #tpu.memory_space<semaphore_mem>>, %arg10: memref<!tpu.dma_semaphore, #tpu.memory_space<semaphore_mem>>, %arg11: memref<!tpu.dma_semaphore, #tpu.memory_space<semaphore_mem>>, %arg12: memref<!tpu.dma_semaphore, #tpu.memory_space<semaphore_mem>>, %arg13: memref<!tpu.dma_semaphore, #tpu.memory_space<semaphore_mem>>, %arg14: memref<!tpu.dma_semaphore, #tpu.memory_space<semaphore_mem>>) attributes {dimension_semantics = [#tpu.dimension_semantics<core_parallel>, #tpu.dimension_semantics<subcore_parallel>], iteration_bounds = array<i64: 2, 16>, scalar_prefetch = 0 : i64, scratch_operands = 10 : i64, tpu.core_type = #tpu.core_type<sc_vector_subcore>, window_params = [{transform_indices = #map}, {transform_indices = #map1}, {transform_indices = #map}]} {
    %mul3A = arith.constant 2 : i32
    %mul3A_0 = arith.muli %arg1, %mul3A : i32
    %add3A = arith.addi %mul3A_0, %arg0 : i32
    %mul3A_1 = arith.constant 25600 : i32
    %mul3A_2 = arith.muli %add3A, %mul3A_1 : i32
    "tpu.region"() ({
      %run_scoped3A = tpu.sem_alloc : memref<!tpu.dma_semaphore, #tpu.memory_space<semaphore_mem>>
      %dma_start3A_226 = tpu.memref_slice %arg3[%mul3A_2] : memref<819200xi32, #tpu.memory_space<hbm>> -> memref<25600xi32, #tpu.memory_space<hbm>>
      %dma_start3A_227 = tpu.memref_slice %arg3[%mul3A_2] : memref<819200xi32, #tpu.memory_space<hbm>> -> memref<25600xi32, #tpu.memory_space<hbm>>
      tpu.enqueue_dma source(%dma_start3A_227 : memref<25600xi32, #tpu.memory_space<hbm>>) target(%arg5 : memref<25600xi32, #tpu.memory_space<vmem>>) target_semaphore(%run_scoped3A : memref<!tpu.dma_semaphore, #tpu.memory_space<semaphore_mem>>)
      %dma_wait3A_228 = tpu.memref_slice %arg3[%mul3A_2] : memref<819200xi32, #tpu.memory_space<hbm>> -> memref<25600xi32, #tpu.memory_space<hbm>>
      %dma_wait3A_229 = tpu.memref_slice %arg3[%mul3A_2] : memref<819200xi32, #tpu.memory_space<hbm>> -> memref<25600xi32, #tpu.memory_space<hbm>>
      tpu.wait_dma2 semaphore(%run_scoped3A : memref<!tpu.dma_semaphore, #tpu.memory_space<semaphore_mem>>) src(%dma_wait3A_229 : memref<25600xi32, #tpu.memory_space<hbm>>) dst(%arg5 : memref<25600xi32, #tpu.memory_space<vmem>>)
      tpu.yield
    }) : () -> ()
    %dma_start3A = arith.constant 0 : i32
    %dma_start3A_3 = arith.constant 0 : i32
    %dma_start3A_4 = arith.constant 0 : i32
    %dma_start3A_5 = tpu.memref_slice %arg6[%dma_start3A, %dma_start3A_3, %dma_start3A_4] : memref<4x400x64xf32, #tpu.memory_space<vmem>> -> memref<1x400x64xf32, #tpu.memory_space<vmem>>
    %dma_start3A_6 = tpu.memref_squeeze %dma_start3A_5 : memref<1x400x64xf32, #tpu.memory_space<vmem>> -> memref<400x64xf32, #tpu.memory_space<vmem>>
    %dma_start3A_7 = arith.constant 0 : i32
    %dma_start3A_8 = tpu.memref_slice %arg5[%dma_start3A_7] : memref<25600xi32, #tpu.memory_space<vmem>> -> memref<400xi32, #tpu.memory_space<vmem>>
    %dma_start3A_9 = arith.constant 0 : i32
    %dma_start3A_10 = arith.constant 0 : i32
    %dma_start3A_11 = tpu.memref_slice %arg2[%dma_start3A_9, %dma_start3A_10] : memref<1000000x64xf32, #tpu.memory_space<hbm>> -> memref<1000000x64xf32, #tpu.memory_space<hbm>>
    tpu.enqueue_indirect_dma source(%dma_start3A_11 : memref<1000000x64xf32, #tpu.memory_space<hbm>>) target(%dma_start3A_6 : memref<400x64xf32, #tpu.memory_space<vmem>>) offsets(%dma_start3A_8 : memref<400xi32, #tpu.memory_space<vmem>>) semaphore(%arg7 : memref<!tpu.dma_semaphore, #tpu.memory_space<semaphore_mem>>)
    %dma_start3A_12 = arith.constant 1 : i32
    %dma_start3A_13 = arith.constant 0 : i32
    %dma_start3A_14 = arith.constant 0 : i32
    %dma_start3A_15 = tpu.memref_slice %arg6[%dma_start3A_12, %dma_start3A_13, %dma_start3A_14] : memref<4x400x64xf32, #tpu.memory_space<vmem>> -> memref<1x400x64xf32, #tpu.memory_space<vmem>>
    %dma_start3A_16 = tpu.memref_squeeze %dma_start3A_15 : memref<1x400x64xf32, #tpu.memory_space<vmem>> -> memref<400x64xf32, #tpu.memory_space<vmem>>
    %dma_start3A_17 = arith.constant 400 : i32
    %dma_start3A_18 = tpu.memref_slice %arg5[%dma_start3A_17] : memref<25600xi32, #tpu.memory_space<vmem>> -> memref<400xi32, #tpu.memory_space<vmem>>
    %dma_start3A_19 = arith.constant 0 : i32
    %dma_start3A_20 = arith.constant 0 : i32
    %dma_start3A_21 = tpu.memref_slice %arg2[%dma_start3A_19, %dma_start3A_20] : memref<1000000x64xf32, #tpu.memory_space<hbm>> -> memref<1000000x64xf32, #tpu.memory_space<hbm>>
    tpu.enqueue_indirect_dma source(%dma_start3A_21 : memref<1000000x64xf32, #tpu.memory_space<hbm>>) target(%dma_start3A_16 : memref<400x64xf32, #tpu.memory_space<vmem>>) offsets(%dma_start3A_18 : memref<400xi32, #tpu.memory_space<vmem>>) semaphore(%arg8 : memref<!tpu.dma_semaphore, #tpu.memory_space<semaphore_mem>>)
    %dma_start3A_22 = arith.constant 2 : i32
    %dma_start3A_23 = arith.constant 0 : i32
    %dma_start3A_24 = arith.constant 0 : i32
    %dma_start3A_25 = tpu.memref_slice %arg6[%dma_start3A_22, %dma_start3A_23, %dma_start3A_24] : memref<4x400x64xf32, #tpu.memory_space<vmem>> -> memref<1x400x64xf32, #tpu.memory_space<vmem>>
    %dma_start3A_26 = tpu.memref_squeeze %dma_start3A_25 : memref<1x400x64xf32, #tpu.memory_space<vmem>> -> memref<400x64xf32, #tpu.memory_space<vmem>>
    %dma_start3A_27 = arith.constant 800 : i32
    %dma_start3A_28 = tpu.memref_slice %arg5[%dma_start3A_27] : memref<25600xi32, #tpu.memory_space<vmem>> -> memref<400xi32, #tpu.memory_space<vmem>>
    %dma_start3A_29 = arith.constant 0 : i32
    %dma_start3A_30 = arith.constant 0 : i32
    %dma_start3A_31 = tpu.memref_slice %arg2[%dma_start3A_29, %dma_start3A_30] : memref<1000000x64xf32, #tpu.memory_space<hbm>> -> memref<1000000x64xf32, #tpu.memory_space<hbm>>
    tpu.enqueue_indirect_dma source(%dma_start3A_31 : memref<1000000x64xf32, #tpu.memory_space<hbm>>) target(%dma_start3A_26 : memref<400x64xf32, #tpu.memory_space<vmem>>) offsets(%dma_start3A_28 : memref<400xi32, #tpu.memory_space<vmem>>) semaphore(%arg9 : memref<!tpu.dma_semaphore, #tpu.memory_space<semaphore_mem>>)
    %dma_wait3A = arith.constant 0 : i32
    %dma_wait3A_32 = arith.constant 0 : i32
    %dma_wait3A_33 = arith.constant 0 : i32
    %dma_wait3A_34 = tpu.memref_slice %arg6[%dma_wait3A, %dma_wait3A_32, %dma_wait3A_33] : memref<4x400x64xf32, #tpu.memory_space<vmem>> -> memref<1x400x64xf32, #tpu.memory_space<vmem>>
    %dma_wait3A_35 = tpu.memref_squeeze %dma_wait3A_34 : memref<1x400x64xf32, #tpu.memory_space<vmem>> -> memref<400x64xf32, #tpu.memory_space<vmem>>
    %dma_wait3A_36 = arith.constant 0 : i32
    %dma_wait3A_37 = arith.constant 0 : i32
    %dma_wait3A_38 = tpu.memref_slice %arg4[%dma_wait3A_36, %dma_wait3A_37] : memref<819200x128xf32, #tpu.memory_space<hbm>> -> memref<400x64xf32, #tpu.memory_space<hbm>>
    %dma_wait3A_39 = arith.constant 0 : i32
    %dma_wait3A_40 = arith.constant 0 : i32
    %dma_wait3A_41 = tpu.memref_slice %arg6[%dma_wait3A, %dma_wait3A_39, %dma_wait3A_40] : memref<4x400x64xf32, #tpu.memory_space<vmem>> -> memref<1x400x64xf32, #tpu.memory_space<vmem>>
    %dma_wait3A_42 = tpu.memref_squeeze %dma_wait3A_41 : memref<1x400x64xf32, #tpu.memory_space<vmem>> -> memref<400x64xf32, #tpu.memory_space<vmem>>
    %dma_wait3A_43 = arith.constant 0 : i32
    %dma_wait3A_44 = arith.constant 0 : i32
    %dma_wait3A_45 = tpu.memref_slice %arg4[%dma_wait3A_43, %dma_wait3A_44] : memref<819200x128xf32, #tpu.memory_space<hbm>> -> memref<400x64xf32, #tpu.memory_space<hbm>>
    tpu.wait_dma2 semaphore(%arg7 : memref<!tpu.dma_semaphore, #tpu.memory_space<semaphore_mem>>) src(%dma_wait3A_45 : memref<400x64xf32, #tpu.memory_space<hbm>>) dst(%dma_wait3A_42 : memref<400x64xf32, #tpu.memory_space<vmem>>)
    %add3A_46 = arith.constant 0 : i32
    %add3A_47 = arith.addi %mul3A_2, %add3A_46 : i32
    %dma_start3A_48 = arith.constant 0 : i32
    %dma_start3A_49 = arith.constant 0 : i32
    %dma_start3A_50 = arith.constant 0 : i32
    %dma_start3A_51 = tpu.memref_slice %arg6[%dma_start3A_48, %dma_start3A_49, %dma_start3A_50] : memref<4x400x64xf32, #tpu.memory_space<vmem>> -> memref<1x400x64xf32, #tpu.memory_space<vmem>>
    %dma_start3A_52 = tpu.memref_squeeze %dma_start3A_51 : memref<1x400x64xf32, #tpu.memory_space<vmem>> -> memref<400x64xf32, #tpu.memory_space<vmem>>
    %dma_start3A_53 = arith.constant 0 : i32
    %dma_start3A_54 = tpu.memref_slice %arg4[%add3A_47, %dma_start3A_53] : memref<819200x128xf32, #tpu.memory_space<hbm>> -> memref<400x64xf32, #tpu.memory_space<hbm>>
    %dma_start3A_55 = arith.constant 0 : i32
    %dma_start3A_56 = tpu.memref_slice %arg4[%add3A_47, %dma_start3A_55] : memref<819200x128xf32, #tpu.memory_space<hbm>> -> memref<400x64xf32, #tpu.memory_space<hbm>>
    %dma_start3A_57 = arith.constant 0 : i32
    %dma_start3A_58 = arith.constant 0 : i32
    %dma_start3A_59 = tpu.memref_slice %arg6[%dma_start3A_48, %dma_start3A_57, %dma_start3A_58] : memref<4x400x64xf32, #tpu.memory_space<vmem>> -> memref<1x400x64xf32, #tpu.memory_space<vmem>>
    %dma_start3A_60 = tpu.memref_squeeze %dma_start3A_59 : memref<1x400x64xf32, #tpu.memory_space<vmem>> -> memref<400x64xf32, #tpu.memory_space<vmem>>
    tpu.enqueue_dma source(%dma_start3A_60 : memref<400x64xf32, #tpu.memory_space<vmem>>) target(%dma_start3A_56 : memref<400x64xf32, #tpu.memory_space<hbm>>) target_semaphore(%arg11 : memref<!tpu.dma_semaphore, #tpu.memory_space<semaphore_mem>>)
    %dma_start3A_61 = arith.constant 3 : i32
    %dma_start3A_62 = arith.constant 0 : i32
    %dma_start3A_63 = arith.constant 0 : i32
    %dma_start3A_64 = tpu.memref_slice %arg6[%dma_start3A_61, %dma_start3A_62, %dma_start3A_63] : memref<4x400x64xf32, #tpu.memory_space<vmem>> -> memref<1x400x64xf32, #tpu.memory_space<vmem>>
    %dma_start3A_65 = tpu.memref_squeeze %dma_start3A_64 : memref<1x400x64xf32, #tpu.memory_space<vmem>> -> memref<400x64xf32, #tpu.memory_space<vmem>>
    %dma_start3A_66 = arith.constant 1200 : i32
    %dma_start3A_67 = tpu.memref_slice %arg5[%dma_start3A_66] : memref<25600xi32, #tpu.memory_space<vmem>> -> memref<400xi32, #tpu.memory_space<vmem>>
    %dma_start3A_68 = arith.constant 0 : i32
    %dma_start3A_69 = arith.constant 0 : i32
    %dma_start3A_70 = tpu.memref_slice %arg2[%dma_start3A_68, %dma_start3A_69] : memref<1000000x64xf32, #tpu.memory_space<hbm>> -> memref<1000000x64xf32, #tpu.memory_space<hbm>>
    tpu.enqueue_indirect_dma source(%dma_start3A_70 : memref<1000000x64xf32, #tpu.memory_space<hbm>>) target(%dma_start3A_65 : memref<400x64xf32, #tpu.memory_space<vmem>>) offsets(%dma_start3A_67 : memref<400xi32, #tpu.memory_space<vmem>>) semaphore(%arg10 : memref<!tpu.dma_semaphore, #tpu.memory_space<semaphore_mem>>)
    %dma_wait3A_71 = arith.constant 1 : i32
    %dma_wait3A_72 = arith.constant 0 : i32
    %dma_wait3A_73 = arith.constant 0 : i32
    %dma_wait3A_74 = tpu.memref_slice %arg6[%dma_wait3A_71, %dma_wait3A_72, %dma_wait3A_73] : memref<4x400x64xf32, #tpu.memory_space<vmem>> -> memref<1x400x64xf32, #tpu.memory_space<vmem>>
    %dma_wait3A_75 = tpu.memref_squeeze %dma_wait3A_74 : memref<1x400x64xf32, #tpu.memory_space<vmem>> -> memref<400x64xf32, #tpu.memory_space<vmem>>
    %dma_wait3A_76 = arith.constant 0 : i32
    %dma_wait3A_77 = arith.constant 0 : i32
    %dma_wait3A_78 = tpu.memref_slice %arg4[%dma_wait3A_76, %dma_wait3A_77] : memref<819200x128xf32, #tpu.memory_space<hbm>> -> memref<400x64xf32, #tpu.memory_space<hbm>>
    %dma_wait3A_79 = arith.constant 0 : i32
    %dma_wait3A_80 = arith.constant 0 : i32
    %dma_wait3A_81 = tpu.memref_slice %arg6[%dma_wait3A_71, %dma_wait3A_79, %dma_wait3A_80] : memref<4x400x64xf32, #tpu.memory_space<vmem>> -> memref<1x400x64xf32, #tpu.memory_space<vmem>>
    %dma_wait3A_82 = tpu.memref_squeeze %dma_wait3A_81 : memref<1x400x64xf32, #tpu.memory_space<vmem>> -> memref<400x64xf32, #tpu.memory_space<vmem>>
    %dma_wait3A_83 = arith.constant 0 : i32
    %dma_wait3A_84 = arith.constant 0 : i32
    %dma_wait3A_85 = tpu.memref_slice %arg4[%dma_wait3A_83, %dma_wait3A_84] : memref<819200x128xf32, #tpu.memory_space<hbm>> -> memref<400x64xf32, #tpu.memory_space<hbm>>
    tpu.wait_dma2 semaphore(%arg8 : memref<!tpu.dma_semaphore, #tpu.memory_space<semaphore_mem>>) src(%dma_wait3A_85 : memref<400x64xf32, #tpu.memory_space<hbm>>) dst(%dma_wait3A_82 : memref<400x64xf32, #tpu.memory_space<vmem>>)
    %add3A_86 = arith.constant 400 : i32
    %add3A_87 = arith.addi %mul3A_2, %add3A_86 : i32
    %dma_start3A_88 = arith.constant 1 : i32
    %dma_start3A_89 = arith.constant 0 : i32
    %dma_start3A_90 = arith.constant 0 : i32
    %dma_start3A_91 = tpu.memref_slice %arg6[%dma_start3A_88, %dma_start3A_89, %dma_start3A_90] : memref<4x400x64xf32, #tpu.memory_space<vmem>> -> memref<1x400x64xf32, #tpu.memory_space<vmem>>
    %dma_start3A_92 = tpu.memref_squeeze %dma_start3A_91 : memref<1x400x64xf32, #tpu.memory_space<vmem>> -> memref<400x64xf32, #tpu.memory_space<vmem>>
    %dma_start3A_93 = arith.constant 0 : i32
    %dma_start3A_94 = tpu.memref_slice %arg4[%add3A_87, %dma_start3A_93] : memref<819200x128xf32, #tpu.memory_space<hbm>> -> memref<400x64xf32, #tpu.memory_space<hbm>>
    %dma_start3A_95 = arith.constant 0 : i32
    %dma_start3A_96 = tpu.memref_slice %arg4[%add3A_87, %dma_start3A_95] : memref<819200x128xf32, #tpu.memory_space<hbm>> -> memref<400x64xf32, #tpu.memory_space<hbm>>
    %dma_start3A_97 = arith.constant 0 : i32
    %dma_start3A_98 = arith.constant 0 : i32
    %dma_start3A_99 = tpu.memref_slice %arg6[%dma_start3A_88, %dma_start3A_97, %dma_start3A_98] : memref<4x400x64xf32, #tpu.memory_space<vmem>> -> memref<1x400x64xf32, #tpu.memory_space<vmem>>
    %dma_start3A_100 = tpu.memref_squeeze %dma_start3A_99 : memref<1x400x64xf32, #tpu.memory_space<vmem>> -> memref<400x64xf32, #tpu.memory_space<vmem>>
    tpu.enqueue_dma source(%dma_start3A_100 : memref<400x64xf32, #tpu.memory_space<vmem>>) target(%dma_start3A_96 : memref<400x64xf32, #tpu.memory_space<hbm>>) target_semaphore(%arg12 : memref<!tpu.dma_semaphore, #tpu.memory_space<semaphore_mem>>)
    %scan3A = arith.constant 0 : i32
    %scan3A_101 = arith.constant 1 : i32
    %scan3A_102 = arith.constant 15 : i32
    %scan3A_103 = arith.addi %scan3A_101, %scan3A_102 : i32
    %scan3A_104 = arith.constant 1 : i32
    scf.for %scan3A_226 = %scan3A_101 to %scan3A_103 step %scan3A_104  : i32 {
      %mul3A_227 = arith.constant 4 : i32
      %mul3A_228 = arith.muli %scan3A_226, %mul3A_227 : i32
      %add3A_229 = arith.constant 0 : i32
      %add3A_230 = arith.addi %mul3A_228, %add3A_229 : i32
      %dma_wait3A_231 = arith.constant 0 : i32
      %dma_wait3A_232 = arith.constant 0 : i32
      %dma_wait3A_233 = arith.constant 0 : i32
      %dma_wait3A_234 = tpu.memref_slice %arg6[%dma_wait3A_231, %dma_wait3A_232, %dma_wait3A_233] : memref<4x400x64xf32, #tpu.memory_space<vmem>> -> memref<1x400x64xf32, #tpu.memory_space<vmem>>
      %dma_wait3A_235 = tpu.memref_squeeze %dma_wait3A_234 : memref<1x400x64xf32, #tpu.memory_space<vmem>> -> memref<400x64xf32, #tpu.memory_space<vmem>>
      %dma_wait3A_236 = arith.constant 0 : i32
      %dma_wait3A_237 = arith.constant 0 : i32
      %dma_wait3A_238 = tpu.memref_slice %arg4[%dma_wait3A_236, %dma_wait3A_237] : memref<819200x128xf32, #tpu.memory_space<hbm>> -> memref<400x64xf32, #tpu.memory_space<hbm>>
      %dma_wait3A_239 = arith.constant 0 : i32
      %dma_wait3A_240 = arith.constant 0 : i32
      %dma_wait3A_241 = tpu.memref_slice %arg4[%dma_wait3A_239, %dma_wait3A_240] : memref<819200x128xf32, #tpu.memory_space<hbm>> -> memref<400x64xf32, #tpu.memory_space<hbm>>
      %dma_wait3A_242 = arith.constant 0 : i32
      %dma_wait3A_243 = arith.constant 0 : i32
      %dma_wait3A_244 = tpu.memref_slice %arg6[%dma_wait3A_231, %dma_wait3A_242, %dma_wait3A_243] : memref<4x400x64xf32, #tpu.memory_space<vmem>> -> memref<1x400x64xf32, #tpu.memory_space<vmem>>
      %dma_wait3A_245 = tpu.memref_squeeze %dma_wait3A_244 : memref<1x400x64xf32, #tpu.memory_space<vmem>> -> memref<400x64xf32, #tpu.memory_space<vmem>>
      tpu.wait_dma2 semaphore(%arg11 : memref<!tpu.dma_semaphore, #tpu.memory_space<semaphore_mem>>) src(%dma_wait3A_245 : memref<400x64xf32, #tpu.memory_space<vmem>>) dst(%dma_wait3A_241 : memref<400x64xf32, #tpu.memory_space<hbm>>)
      %mul3A_246 = arith.constant 400 : i32
      %mul3A_247 = arith.muli %add3A_230, %mul3A_246 : i32
      %dma_start3A_248 = arith.constant 0 : i32
      %dma_start3A_249 = arith.constant 0 : i32
      %dma_start3A_250 = arith.constant 0 : i32
      %dma_start3A_251 = tpu.memref_slice %arg6[%dma_start3A_248, %dma_start3A_249, %dma_start3A_250] : memref<4x400x64xf32, #tpu.memory_space<vmem>> -> memref<1x400x64xf32, #tpu.memory_space<vmem>>
      %dma_start3A_252 = tpu.memref_squeeze %dma_start3A_251 : memref<1x400x64xf32, #tpu.memory_space<vmem>> -> memref<400x64xf32, #tpu.memory_space<vmem>>
      %dma_start3A_253 = tpu.memref_slice %arg5[%mul3A_247] : memref<25600xi32, #tpu.memory_space<vmem>> -> memref<400xi32, #tpu.memory_space<vmem>>
      %dma_start3A_254 = arith.constant 0 : i32
      %dma_start3A_255 = arith.constant 0 : i32
      %dma_start3A_256 = tpu.memref_slice %arg2[%dma_start3A_254, %dma_start3A_255] : memref<1000000x64xf32, #tpu.memory_space<hbm>> -> memref<1000000x64xf32, #tpu.memory_space<hbm>>
      tpu.enqueue_indirect_dma source(%dma_start3A_256 : memref<1000000x64xf32, #tpu.memory_space<hbm>>) target(%dma_start3A_252 : memref<400x64xf32, #tpu.memory_space<vmem>>) offsets(%dma_start3A_253 : memref<400xi32, #tpu.memory_space<vmem>>) semaphore(%arg7 : memref<!tpu.dma_semaphore, #tpu.memory_space<semaphore_mem>>)
      %dma_wait3A_257 = arith.constant 2 : i32
      %dma_wait3A_258 = arith.constant 0 : i32
      %dma_wait3A_259 = arith.constant 0 : i32
      %dma_wait3A_260 = tpu.memref_slice %arg6[%dma_wait3A_257, %dma_wait3A_258, %dma_wait3A_259] : memref<4x400x64xf32, #tpu.memory_space<vmem>> -> memref<1x400x64xf32, #tpu.memory_space<vmem>>
      %dma_wait3A_261 = tpu.memref_squeeze %dma_wait3A_260 : memref<1x400x64xf32, #tpu.memory_space<vmem>> -> memref<400x64xf32, #tpu.memory_space<vmem>>
      %dma_wait3A_262 = arith.constant 0 : i32
      %dma_wait3A_263 = arith.constant 0 : i32
      %dma_wait3A_264 = tpu.memref_slice %arg4[%dma_wait3A_262, %dma_wait3A_263] : memref<819200x128xf32, #tpu.memory_space<hbm>> -> memref<400x64xf32, #tpu.memory_space<hbm>>
      %dma_wait3A_265 = arith.constant 0 : i32
      %dma_wait3A_266 = arith.constant 0 : i32
      %dma_wait3A_267 = tpu.memref_slice %arg6[%dma_wait3A_257, %dma_wait3A_265, %dma_wait3A_266] : memref<4x400x64xf32, #tpu.memory_space<vmem>> -> memref<1x400x64xf32, #tpu.memory_space<vmem>>
      %dma_wait3A_268 = tpu.memref_squeeze %dma_wait3A_267 : memref<1x400x64xf32, #tpu.memory_space<vmem>> -> memref<400x64xf32, #tpu.memory_space<vmem>>
      %dma_wait3A_269 = arith.constant 0 : i32
      %dma_wait3A_270 = arith.constant 0 : i32
      %dma_wait3A_271 = tpu.memref_slice %arg4[%dma_wait3A_269, %dma_wait3A_270] : memref<819200x128xf32, #tpu.memory_space<hbm>> -> memref<400x64xf32, #tpu.memory_space<hbm>>
      tpu.wait_dma2 semaphore(%arg9 : memref<!tpu.dma_semaphore, #tpu.memory_space<semaphore_mem>>) src(%dma_wait3A_271 : memref<400x64xf32, #tpu.memory_space<hbm>>) dst(%dma_wait3A_268 : memref<400x64xf32, #tpu.memory_space<vmem>>)
      %sub3A = arith.constant 2 : i32
      %sub3A_272 = arith.subi %add3A_230, %sub3A : i32
      %mul3A_273 = arith.constant 400 : i32
      %mul3A_274 = arith.muli %sub3A_272, %mul3A_273 : i32
      %add3A_275 = arith.addi %mul3A_2, %mul3A_274 : i32
      %dma_start3A_276 = arith.constant 2 : i32
      %dma_start3A_277 = arith.constant 0 : i32
      %dma_start3A_278 = arith.constant 0 : i32
      %dma_start3A_279 = tpu.memref_slice %arg6[%dma_start3A_276, %dma_start3A_277, %dma_start3A_278] : memref<4x400x64xf32, #tpu.memory_space<vmem>> -> memref<1x400x64xf32, #tpu.memory_space<vmem>>
      %dma_start3A_280 = tpu.memref_squeeze %dma_start3A_279 : memref<1x400x64xf32, #tpu.memory_space<vmem>> -> memref<400x64xf32, #tpu.memory_space<vmem>>
      %dma_start3A_281 = arith.constant 0 : i32
      %dma_start3A_282 = tpu.memref_slice %arg4[%add3A_275, %dma_start3A_281] : memref<819200x128xf32, #tpu.memory_space<hbm>> -> memref<400x64xf32, #tpu.memory_space<hbm>>
      %dma_start3A_283 = arith.constant 0 : i32
      %dma_start3A_284 = tpu.memref_slice %arg4[%add3A_275, %dma_start3A_283] : memref<819200x128xf32, #tpu.memory_space<hbm>> -> memref<400x64xf32, #tpu.memory_space<hbm>>
      %dma_start3A_285 = arith.constant 0 : i32
      %dma_start3A_286 = arith.constant 0 : i32
      %dma_start3A_287 = tpu.memref_slice %arg6[%dma_start3A_276, %dma_start3A_285, %dma_start3A_286] : memref<4x400x64xf32, #tpu.memory_space<vmem>> -> memref<1x400x64xf32, #tpu.memory_space<vmem>>
      %dma_start3A_288 = tpu.memref_squeeze %dma_start3A_287 : memref<1x400x64xf32, #tpu.memory_space<vmem>> -> memref<400x64xf32, #tpu.memory_space<vmem>>
      tpu.enqueue_dma source(%dma_start3A_288 : memref<400x64xf32, #tpu.memory_space<vmem>>) target(%dma_start3A_284 : memref<400x64xf32, #tpu.memory_space<hbm>>) target_semaphore(%arg13 : memref<!tpu.dma_semaphore, #tpu.memory_space<semaphore_mem>>)
      %mul3A_289 = arith.constant 4 : i32
      %mul3A_290 = arith.muli %scan3A_226, %mul3A_289 : i32
      %add3A_291 = arith.constant 1 : i32
      %add3A_292 = arith.addi %mul3A_290, %add3A_291 : i32
      %dma_wait3A_293 = arith.constant 1 : i32
      %dma_wait3A_294 = arith.constant 0 : i32
      %dma_wait3A_295 = arith.constant 0 : i32
      %dma_wait3A_296 = tpu.memref_slice %arg6[%dma_wait3A_293, %dma_wait3A_294, %dma_wait3A_295] : memref<4x400x64xf32, #tpu.memory_space<vmem>> -> memref<1x400x64xf32, #tpu.memory_space<vmem>>
      %dma_wait3A_297 = tpu.memref_squeeze %dma_wait3A_296 : memref<1x400x64xf32, #tpu.memory_space<vmem>> -> memref<400x64xf32, #tpu.memory_space<vmem>>
      %dma_wait3A_298 = arith.constant 0 : i32
      %dma_wait3A_299 = arith.constant 0 : i32
      %dma_wait3A_300 = tpu.memref_slice %arg4[%dma_wait3A_298, %dma_wait3A_299] : memref<819200x128xf32, #tpu.memory_space<hbm>> -> memref<400x64xf32, #tpu.memory_space<hbm>>
      %dma_wait3A_301 = arith.constant 0 : i32
      %dma_wait3A_302 = arith.constant 0 : i32
      %dma_wait3A_303 = tpu.memref_slice %arg4[%dma_wait3A_301, %dma_wait3A_302] : memref<819200x128xf32, #tpu.memory_space<hbm>> -> memref<400x64xf32, #tpu.memory_space<hbm>>
      %dma_wait3A_304 = arith.constant 0 : i32
      %dma_wait3A_305 = arith.constant 0 : i32
      %dma_wait3A_306 = tpu.memref_slice %arg6[%dma_wait3A_293, %dma_wait3A_304, %dma_wait3A_305] : memref<4x400x64xf32, #tpu.memory_space<vmem>> -> memref<1x400x64xf32, #tpu.memory_space<vmem>>
      %dma_wait3A_307 = tpu.memref_squeeze %dma_wait3A_306 : memref<1x400x64xf32, #tpu.memory_space<vmem>> -> memref<400x64xf32, #tpu.memory_space<vmem>>
      tpu.wait_dma2 semaphore(%arg12 : memref<!tpu.dma_semaphore, #tpu.memory_space<semaphore_mem>>) src(%dma_wait3A_307 : memref<400x64xf32, #tpu.memory_space<vmem>>) dst(%dma_wait3A_303 : memref<400x64xf32, #tpu.memory_space<hbm>>)
      %mul3A_308 = arith.constant 400 : i32
      %mul3A_309 = arith.muli %add3A_292, %mul3A_308 : i32
      %dma_start3A_310 = arith.constant 1 : i32
      %dma_start3A_311 = arith.constant 0 : i32
      %dma_start3A_312 = arith.constant 0 : i32
      %dma_start3A_313 = tpu.memref_slice %arg6[%dma_start3A_310, %dma_start3A_311, %dma_start3A_312] : memref<4x400x64xf32, #tpu.memory_space<vmem>> -> memref<1x400x64xf32, #tpu.memory_space<vmem>>
      %dma_start3A_314 = tpu.memref_squeeze %dma_start3A_313 : memref<1x400x64xf32, #tpu.memory_space<vmem>> -> memref<400x64xf32, #tpu.memory_space<vmem>>
      %dma_start3A_315 = tpu.memref_slice %arg5[%mul3A_309] : memref<25600xi32, #tpu.memory_space<vmem>> -> memref<400xi32, #tpu.memory_space<vmem>>
      %dma_start3A_316 = arith.constant 0 : i32
      %dma_start3A_317 = arith.constant 0 : i32
      %dma_start3A_318 = tpu.memref_slice %arg2[%dma_start3A_316, %dma_start3A_317] : memref<1000000x64xf32, #tpu.memory_space<hbm>> -> memref<1000000x64xf32, #tpu.memory_space<hbm>>
      tpu.enqueue_indirect_dma source(%dma_start3A_318 : memref<1000000x64xf32, #tpu.memory_space<hbm>>) target(%dma_start3A_314 : memref<400x64xf32, #tpu.memory_space<vmem>>) offsets(%dma_start3A_315 : memref<400xi32, #tpu.memory_space<vmem>>) semaphore(%arg8 : memref<!tpu.dma_semaphore, #tpu.memory_space<semaphore_mem>>)
      %dma_wait3A_319 = arith.constant 3 : i32
      %dma_wait3A_320 = arith.constant 0 : i32
      %dma_wait3A_321 = arith.constant 0 : i32
      %dma_wait3A_322 = tpu.memref_slice %arg6[%dma_wait3A_319, %dma_wait3A_320, %dma_wait3A_321] : memref<4x400x64xf32, #tpu.memory_space<vmem>> -> memref<1x400x64xf32, #tpu.memory_space<vmem>>
      %dma_wait3A_323 = tpu.memref_squeeze %dma_wait3A_322 : memref<1x400x64xf32, #tpu.memory_space<vmem>> -> memref<400x64xf32, #tpu.memory_space<vmem>>
      %dma_wait3A_324 = arith.constant 0 : i32
      %dma_wait3A_325 = arith.constant 0 : i32
      %dma_wait3A_326 = tpu.memref_slice %arg4[%dma_wait3A_324, %dma_wait3A_325] : memref<819200x128xf32, #tpu.memory_space<hbm>> -> memref<400x64xf32, #tpu.memory_space<hbm>>
      %dma_wait3A_327 = arith.constant 0 : i32
      %dma_wait3A_328 = arith.constant 0 : i32
      %dma_wait3A_329 = tpu.memref_slice %arg6[%dma_wait3A_319, %dma_wait3A_327, %dma_wait3A_328] : memref<4x400x64xf32, #tpu.memory_space<vmem>> -> memref<1x400x64xf32, #tpu.memory_space<vmem>>
      %dma_wait3A_330 = tpu.memref_squeeze %dma_wait3A_329 : memref<1x400x64xf32, #tpu.memory_space<vmem>> -> memref<400x64xf32, #tpu.memory_space<vmem>>
      %dma_wait3A_331 = arith.constant 0 : i32
      %dma_wait3A_332 = arith.constant 0 : i32
      %dma_wait3A_333 = tpu.memref_slice %arg4[%dma_wait3A_331, %dma_wait3A_332] : memref<819200x128xf32, #tpu.memory_space<hbm>> -> memref<400x64xf32, #tpu.memory_space<hbm>>
      tpu.wait_dma2 semaphore(%arg10 : memref<!tpu.dma_semaphore, #tpu.memory_space<semaphore_mem>>) src(%dma_wait3A_333 : memref<400x64xf32, #tpu.memory_space<hbm>>) dst(%dma_wait3A_330 : memref<400x64xf32, #tpu.memory_space<vmem>>)
      %sub3A_334 = arith.constant 2 : i32
      %sub3A_335 = arith.subi %add3A_292, %sub3A_334 : i32
      %mul3A_336 = arith.constant 400 : i32
      %mul3A_337 = arith.muli %sub3A_335, %mul3A_336 : i32
      %add3A_338 = arith.addi %mul3A_2, %mul3A_337 : i32
      %dma_start3A_339 = arith.constant 3 : i32
      %dma_start3A_340 = arith.constant 0 : i32
      %dma_start3A_341 = arith.constant 0 : i32
      %dma_start3A_342 = tpu.memref_slice %arg6[%dma_start3A_339, %dma_start3A_340, %dma_start3A_341] : memref<4x400x64xf32, #tpu.memory_space<vmem>> -> memref<1x400x64xf32, #tpu.memory_space<vmem>>
      %dma_start3A_343 = tpu.memref_squeeze %dma_start3A_342 : memref<1x400x64xf32, #tpu.memory_space<vmem>> -> memref<400x64xf32, #tpu.memory_space<vmem>>
      %dma_start3A_344 = arith.constant 0 : i32
      %dma_start3A_345 = tpu.memref_slice %arg4[%add3A_338, %dma_start3A_344] : memref<819200x128xf32, #tpu.memory_space<hbm>> -> memref<400x64xf32, #tpu.memory_space<hbm>>
      %dma_start3A_346 = arith.constant 0 : i32
      %dma_start3A_347 = tpu.memref_slice %arg4[%add3A_338, %dma_start3A_346] : memref<819200x128xf32, #tpu.memory_space<hbm>> -> memref<400x64xf32, #tpu.memory_space<hbm>>
      %dma_start3A_348 = arith.constant 0 : i32
      %dma_start3A_349 = arith.constant 0 : i32
      %dma_start3A_350 = tpu.memref_slice %arg6[%dma_start3A_339, %dma_start3A_348, %dma_start3A_349] : memref<4x400x64xf32, #tpu.memory_space<vmem>> -> memref<1x400x64xf32, #tpu.memory_space<vmem>>
      %dma_start3A_351 = tpu.memref_squeeze %dma_start3A_350 : memref<1x400x64xf32, #tpu.memory_space<vmem>> -> memref<400x64xf32, #tpu.memory_space<vmem>>
      tpu.enqueue_dma source(%dma_start3A_351 : memref<400x64xf32, #tpu.memory_space<vmem>>) target(%dma_start3A_347 : memref<400x64xf32, #tpu.memory_space<hbm>>) target_semaphore(%arg14 : memref<!tpu.dma_semaphore, #tpu.memory_space<semaphore_mem>>)
      %mul3A_352 = arith.constant 4 : i32
      %mul3A_353 = arith.muli %scan3A_226, %mul3A_352 : i32
      %add3A_354 = arith.constant 2 : i32
      %add3A_355 = arith.addi %mul3A_353, %add3A_354 : i32
      %dma_wait3A_356 = arith.constant 2 : i32
      %dma_wait3A_357 = arith.constant 0 : i32
      %dma_wait3A_358 = arith.constant 0 : i32
      %dma_wait3A_359 = tpu.memref_slice %arg6[%dma_wait3A_356, %dma_wait3A_357, %dma_wait3A_358] : memref<4x400x64xf32, #tpu.memory_space<vmem>> -> memref<1x400x64xf32, #tpu.memory_space<vmem>>
      %dma_wait3A_360 = tpu.memref_squeeze %dma_wait3A_359 : memref<1x400x64xf32, #tpu.memory_space<vmem>> -> memref<400x64xf32, #tpu.memory_space<vmem>>
      %dma_wait3A_361 = arith.constant 0 : i32
      %dma_wait3A_362 = arith.constant 0 : i32
      %dma_wait3A_363 = tpu.memref_slice %arg4[%dma_wait3A_361, %dma_wait3A_362] : memref<819200x128xf32, #tpu.memory_space<hbm>> -> memref<400x64xf32, #tpu.memory_space<hbm>>
      %dma_wait3A_364 = arith.constant 0 : i32
      %dma_wait3A_365 = arith.constant 0 : i32
      %dma_wait3A_366 = tpu.memref_slice %arg4[%dma_wait3A_364, %dma_wait3A_365] : memref<819200x128xf32, #tpu.memory_space<hbm>> -> memref<400x64xf32, #tpu.memory_space<hbm>>
      %dma_wait3A_367 = arith.constant 0 : i32
      %dma_wait3A_368 = arith.constant 0 : i32
      %dma_wait3A_369 = tpu.memref_slice %arg6[%dma_wait3A_356, %dma_wait3A_367, %dma_wait3A_368] : memref<4x400x64xf32, #tpu.memory_space<vmem>> -> memref<1x400x64xf32, #tpu.memory_space<vmem>>
      %dma_wait3A_370 = tpu.memref_squeeze %dma_wait3A_369 : memref<1x400x64xf32, #tpu.memory_space<vmem>> -> memref<400x64xf32, #tpu.memory_space<vmem>>
      tpu.wait_dma2 semaphore(%arg13 : memref<!tpu.dma_semaphore, #tpu.memory_space<semaphore_mem>>) src(%dma_wait3A_370 : memref<400x64xf32, #tpu.memory_space<vmem>>) dst(%dma_wait3A_366 : memref<400x64xf32, #tpu.memory_space<hbm>>)
      %mul3A_371 = arith.constant 400 : i32
      %mul3A_372 = arith.muli %add3A_355, %mul3A_371 : i32
      %dma_start3A_373 = arith.constant 2 : i32
      %dma_start3A_374 = arith.constant 0 : i32
      %dma_start3A_375 = arith.constant 0 : i32
      %dma_start3A_376 = tpu.memref_slice %arg6[%dma_start3A_373, %dma_start3A_374, %dma_start3A_375] : memref<4x400x64xf32, #tpu.memory_space<vmem>> -> memref<1x400x64xf32, #tpu.memory_space<vmem>>
      %dma_start3A_377 = tpu.memref_squeeze %dma_start3A_376 : memref<1x400x64xf32, #tpu.memory_space<vmem>> -> memref<400x64xf32, #tpu.memory_space<vmem>>
      %dma_start3A_378 = tpu.memref_slice %arg5[%mul3A_372] : memref<25600xi32, #tpu.memory_space<vmem>> -> memref<400xi32, #tpu.memory_space<vmem>>
      %dma_start3A_379 = arith.constant 0 : i32
      %dma_start3A_380 = arith.constant 0 : i32
      %dma_start3A_381 = tpu.memref_slice %arg2[%dma_start3A_379, %dma_start3A_380] : memref<1000000x64xf32, #tpu.memory_space<hbm>> -> memref<1000000x64xf32, #tpu.memory_space<hbm>>
      tpu.enqueue_indirect_dma source(%dma_start3A_381 : memref<1000000x64xf32, #tpu.memory_space<hbm>>) target(%dma_start3A_377 : memref<400x64xf32, #tpu.memory_space<vmem>>) offsets(%dma_start3A_378 : memref<400xi32, #tpu.memory_space<vmem>>) semaphore(%arg9 : memref<!tpu.dma_semaphore, #tpu.memory_space<semaphore_mem>>)
      %dma_wait3A_382 = arith.constant 0 : i32
      %dma_wait3A_383 = arith.constant 0 : i32
      %dma_wait3A_384 = arith.constant 0 : i32
      %dma_wait3A_385 = tpu.memref_slice %arg6[%dma_wait3A_382, %dma_wait3A_383, %dma_wait3A_384] : memref<4x400x64xf32, #tpu.memory_space<vmem>> -> memref<1x400x64xf32, #tpu.memory_space<vmem>>
      %dma_wait3A_386 = tpu.memref_squeeze %dma_wait3A_385 : memref<1x400x64xf32, #tpu.memory_space<vmem>> -> memref<400x64xf32, #tpu.memory_space<vmem>>
      %dma_wait3A_387 = arith.constant 0 : i32
      %dma_wait3A_388 = arith.constant 0 : i32
      %dma_wait3A_389 = tpu.memref_slice %arg4[%dma_wait3A_387, %dma_wait3A_388] : memref<819200x128xf32, #tpu.memory_space<hbm>> -> memref<400x64xf32, #tpu.memory_space<hbm>>
      %dma_wait3A_390 = arith.constant 0 : i32
      %dma_wait3A_391 = arith.constant 0 : i32
      %dma_wait3A_392 = tpu.memref_slice %arg6[%dma_wait3A_382, %dma_wait3A_390, %dma_wait3A_391] : memref<4x400x64xf32, #tpu.memory_space<vmem>> -> memref<1x400x64xf32, #tpu.memory_space<vmem>>
      %dma_wait3A_393 = tpu.memref_squeeze %dma_wait3A_392 : memref<1x400x64xf32, #tpu.memory_space<vmem>> -> memref<400x64xf32, #tpu.memory_space<vmem>>
      %dma_wait3A_394 = arith.constant 0 : i32
      %dma_wait3A_395 = arith.constant 0 : i32
      %dma_wait3A_396 = tpu.memref_slice %arg4[%dma_wait3A_394, %dma_wait3A_395] : memref<819200x128xf32, #tpu.memory_space<hbm>> -> memref<400x64xf32, #tpu.memory_space<hbm>>
      tpu.wait_dma2 semaphore(%arg7 : memref<!tpu.dma_semaphore, #tpu.memory_space<semaphore_mem>>) src(%dma_wait3A_396 : memref<400x64xf32, #tpu.memory_space<hbm>>) dst(%dma_wait3A_393 : memref<400x64xf32, #tpu.memory_space<vmem>>)
      %sub3A_397 = arith.constant 2 : i32
      %sub3A_398 = arith.subi %add3A_355, %sub3A_397 : i32
      %mul3A_399 = arith.constant 400 : i32
      %mul3A_400 = arith.muli %sub3A_398, %mul3A_399 : i32
      %add3A_401 = arith.addi %mul3A_2, %mul3A_400 : i32
      %dma_start3A_402 = arith.constant 0 : i32
      %dma_start3A_403 = arith.constant 0 : i32
      %dma_start3A_404 = arith.constant 0 : i32
      %dma_start3A_405 = tpu.memref_slice %arg6[%dma_start3A_402, %dma_start3A_403, %dma_start3A_404] : memref<4x400x64xf32, #tpu.memory_space<vmem>> -> memref<1x400x64xf32, #tpu.memory_space<vmem>>
      %dma_start3A_406 = tpu.memref_squeeze %dma_start3A_405 : memref<1x400x64xf32, #tpu.memory_space<vmem>> -> memref<400x64xf32, #tpu.memory_space<vmem>>
      %dma_start3A_407 = arith.constant 0 : i32
      %dma_start3A_408 = tpu.memref_slice %arg4[%add3A_401, %dma_start3A_407] : memref<819200x128xf32, #tpu.memory_space<hbm>> -> memref<400x64xf32, #tpu.memory_space<hbm>>
      %dma_start3A_409 = arith.constant 0 : i32
      %dma_start3A_410 = tpu.memref_slice %arg4[%add3A_401, %dma_start3A_409] : memref<819200x128xf32, #tpu.memory_space<hbm>> -> memref<400x64xf32, #tpu.memory_space<hbm>>
      %dma_start3A_411 = arith.constant 0 : i32
      %dma_start3A_412 = arith.constant 0 : i32
      %dma_start3A_413 = tpu.memref_slice %arg6[%dma_start3A_402, %dma_start3A_411, %dma_start3A_412] : memref<4x400x64xf32, #tpu.memory_space<vmem>> -> memref<1x400x64xf32, #tpu.memory_space<vmem>>
      %dma_start3A_414 = tpu.memref_squeeze %dma_start3A_413 : memref<1x400x64xf32, #tpu.memory_space<vmem>> -> memref<400x64xf32, #tpu.memory_space<vmem>>
      tpu.enqueue_dma source(%dma_start3A_414 : memref<400x64xf32, #tpu.memory_space<vmem>>) target(%dma_start3A_410 : memref<400x64xf32, #tpu.memory_space<hbm>>) target_semaphore(%arg11 : memref<!tpu.dma_semaphore, #tpu.memory_space<semaphore_mem>>)
      %mul3A_415 = arith.constant 4 : i32
      %mul3A_416 = arith.muli %scan3A_226, %mul3A_415 : i32
      %add3A_417 = arith.constant 3 : i32
      %add3A_418 = arith.addi %mul3A_416, %add3A_417 : i32
      %dma_wait3A_419 = arith.constant 3 : i32
      %dma_wait3A_420 = arith.constant 0 : i32
      %dma_wait3A_421 = arith.constant 0 : i32
      %dma_wait3A_422 = tpu.memref_slice %arg6[%dma_wait3A_419, %dma_wait3A_420, %dma_wait3A_421] : memref<4x400x64xf32, #tpu.memory_space<vmem>> -> memref<1x400x64xf32, #tpu.memory_space<vmem>>
      %dma_wait3A_423 = tpu.memref_squeeze %dma_wait3A_422 : memref<1x400x64xf32, #tpu.memory_space<vmem>> -> memref<400x64xf32, #tpu.memory_space<vmem>>
      %dma_wait3A_424 = arith.constant 0 : i32
      %dma_wait3A_425 = arith.constant 0 : i32
      %dma_wait3A_426 = tpu.memref_slice %arg4[%dma_wait3A_424, %dma_wait3A_425] : memref<819200x128xf32, #tpu.memory_space<hbm>> -> memref<400x64xf32, #tpu.memory_space<hbm>>
      %dma_wait3A_427 = arith.constant 0 : i32
      %dma_wait3A_428 = arith.constant 0 : i32
      %dma_wait3A_429 = tpu.memref_slice %arg4[%dma_wait3A_427, %dma_wait3A_428] : memref<819200x128xf32, #tpu.memory_space<hbm>> -> memref<400x64xf32, #tpu.memory_space<hbm>>
      %dma_wait3A_430 = arith.constant 0 : i32
      %dma_wait3A_431 = arith.constant 0 : i32
      %dma_wait3A_432 = tpu.memref_slice %arg6[%dma_wait3A_419, %dma_wait3A_430, %dma_wait3A_431] : memref<4x400x64xf32, #tpu.memory_space<vmem>> -> memref<1x400x64xf32, #tpu.memory_space<vmem>>
      %dma_wait3A_433 = tpu.memref_squeeze %dma_wait3A_432 : memref<1x400x64xf32, #tpu.memory_space<vmem>> -> memref<400x64xf32, #tpu.memory_space<vmem>>
      tpu.wait_dma2 semaphore(%arg14 : memref<!tpu.dma_semaphore, #tpu.memory_space<semaphore_mem>>) src(%dma_wait3A_433 : memref<400x64xf32, #tpu.memory_space<vmem>>) dst(%dma_wait3A_429 : memref<400x64xf32, #tpu.memory_space<hbm>>)
      %mul3A_434 = arith.constant 400 : i32
      %mul3A_435 = arith.muli %add3A_418, %mul3A_434 : i32
      %dma_start3A_436 = arith.constant 3 : i32
      %dma_start3A_437 = arith.constant 0 : i32
      %dma_start3A_438 = arith.constant 0 : i32
      %dma_start3A_439 = tpu.memref_slice %arg6[%dma_start3A_436, %dma_start3A_437, %dma_start3A_438] : memref<4x400x64xf32, #tpu.memory_space<vmem>> -> memref<1x400x64xf32, #tpu.memory_space<vmem>>
      %dma_start3A_440 = tpu.memref_squeeze %dma_start3A_439 : memref<1x400x64xf32, #tpu.memory_space<vmem>> -> memref<400x64xf32, #tpu.memory_space<vmem>>
      %dma_start3A_441 = tpu.memref_slice %arg5[%mul3A_435] : memref<25600xi32, #tpu.memory_space<vmem>> -> memref<400xi32, #tpu.memory_space<vmem>>
      %dma_start3A_442 = arith.constant 0 : i32
      %dma_start3A_443 = arith.constant 0 : i32
      %dma_start3A_444 = tpu.memref_slice %arg2[%dma_start3A_442, %dma_start3A_443] : memref<1000000x64xf32, #tpu.memory_space<hbm>> -> memref<1000000x64xf32, #tpu.memory_space<hbm>>
      tpu.enqueue_indirect_dma source(%dma_start3A_444 : memref<1000000x64xf32, #tpu.memory_space<hbm>>) target(%dma_start3A_440 : memref<400x64xf32, #tpu.memory_space<vmem>>) offsets(%dma_start3A_441 : memref<400xi32, #tpu.memory_space<vmem>>) semaphore(%arg10 : memref<!tpu.dma_semaphore, #tpu.memory_space<semaphore_mem>>)
      %dma_wait3A_445 = arith.constant 1 : i32
      %dma_wait3A_446 = arith.constant 0 : i32
      %dma_wait3A_447 = arith.constant 0 : i32
      %dma_wait3A_448 = tpu.memref_slice %arg6[%dma_wait3A_445, %dma_wait3A_446, %dma_wait3A_447] : memref<4x400x64xf32, #tpu.memory_space<vmem>> -> memref<1x400x64xf32, #tpu.memory_space<vmem>>
      %dma_wait3A_449 = tpu.memref_squeeze %dma_wait3A_448 : memref<1x400x64xf32, #tpu.memory_space<vmem>> -> memref<400x64xf32, #tpu.memory_space<vmem>>
      %dma_wait3A_450 = arith.constant 0 : i32
      %dma_wait3A_451 = arith.constant 0 : i32
      %dma_wait3A_452 = tpu.memref_slice %arg4[%dma_wait3A_450, %dma_wait3A_451] : memref<819200x128xf32, #tpu.memory_space<hbm>> -> memref<400x64xf32, #tpu.memory_space<hbm>>
      %dma_wait3A_453 = arith.constant 0 : i32
      %dma_wait3A_454 = arith.constant 0 : i32
      %dma_wait3A_455 = tpu.memref_slice %arg6[%dma_wait3A_445, %dma_wait3A_453, %dma_wait3A_454] : memref<4x400x64xf32, #tpu.memory_space<vmem>> -> memref<1x400x64xf32, #tpu.memory_space<vmem>>
      %dma_wait3A_456 = tpu.memref_squeeze %dma_wait3A_455 : memref<1x400x64xf32, #tpu.memory_space<vmem>> -> memref<400x64xf32, #tpu.memory_space<vmem>>
      %dma_wait3A_457 = arith.constant 0 : i32
      %dma_wait3A_458 = arith.constant 0 : i32
      %dma_wait3A_459 = tpu.memref_slice %arg4[%dma_wait3A_457, %dma_wait3A_458] : memref<819200x128xf32, #tpu.memory_space<hbm>> -> memref<400x64xf32, #tpu.memory_space<hbm>>
      tpu.wait_dma2 semaphore(%arg8 : memref<!tpu.dma_semaphore, #tpu.memory_space<semaphore_mem>>) src(%dma_wait3A_459 : memref<400x64xf32, #tpu.memory_space<hbm>>) dst(%dma_wait3A_456 : memref<400x64xf32, #tpu.memory_space<vmem>>)
      %sub3A_460 = arith.constant 2 : i32
      %sub3A_461 = arith.subi %add3A_418, %sub3A_460 : i32
      %mul3A_462 = arith.constant 400 : i32
      %mul3A_463 = arith.muli %sub3A_461, %mul3A_462 : i32
      %add3A_464 = arith.addi %mul3A_2, %mul3A_463 : i32
      %dma_start3A_465 = arith.constant 1 : i32
      %dma_start3A_466 = arith.constant 0 : i32
      %dma_start3A_467 = arith.constant 0 : i32
      %dma_start3A_468 = tpu.memref_slice %arg6[%dma_start3A_465, %dma_start3A_466, %dma_start3A_467] : memref<4x400x64xf32, #tpu.memory_space<vmem>> -> memref<1x400x64xf32, #tpu.memory_space<vmem>>
      %dma_start3A_469 = tpu.memref_squeeze %dma_start3A_468 : memref<1x400x64xf32, #tpu.memory_space<vmem>> -> memref<400x64xf32, #tpu.memory_space<vmem>>
      %dma_start3A_470 = arith.constant 0 : i32
      %dma_start3A_471 = tpu.memref_slice %arg4[%add3A_464, %dma_start3A_470] : memref<819200x128xf32, #tpu.memory_space<hbm>> -> memref<400x64xf32, #tpu.memory_space<hbm>>
      %dma_start3A_472 = arith.constant 0 : i32
      %dma_start3A_473 = tpu.memref_slice %arg4[%add3A_464, %dma_start3A_472] : memref<819200x128xf32, #tpu.memory_space<hbm>> -> memref<400x64xf32, #tpu.memory_space<hbm>>
      %dma_start3A_474 = arith.constant 0 : i32
      %dma_start3A_475 = arith.constant 0 : i32
      %dma_start3A_476 = tpu.memref_slice %arg6[%dma_start3A_465, %dma_start3A_474, %dma_start3A_475] : memref<4x400x64xf32, #tpu.memory_space<vmem>> -> memref<1x400x64xf32, #tpu.memory_space<vmem>>
      %dma_start3A_477 = tpu.memref_squeeze %dma_start3A_476 : memref<1x400x64xf32, #tpu.memory_space<vmem>> -> memref<400x64xf32, #tpu.memory_space<vmem>>
      tpu.enqueue_dma source(%dma_start3A_477 : memref<400x64xf32, #tpu.memory_space<vmem>>) target(%dma_start3A_473 : memref<400x64xf32, #tpu.memory_space<hbm>>) target_semaphore(%arg12 : memref<!tpu.dma_semaphore, #tpu.memory_space<semaphore_mem>>)
    }
    %scan3A_105 = arith.constant 15 : i32
    %dma_wait3A_106 = arith.constant 2 : i32
    %dma_wait3A_107 = arith.constant 0 : i32
    %dma_wait3A_108 = arith.constant 0 : i32
    %dma_wait3A_109 = tpu.memref_slice %arg6[%dma_wait3A_106, %dma_wait3A_107, %dma_wait3A_108] : memref<4x400x64xf32, #tpu.memory_space<vmem>> -> memref<1x400x64xf32, #tpu.memory_space<vmem>>
    %dma_wait3A_110 = tpu.memref_squeeze %dma_wait3A_109 : memref<1x400x64xf32, #tpu.memory_space<vmem>> -> memref<400x64xf32, #tpu.memory_space<vmem>>
    %dma_wait3A_111 = arith.constant 0 : i32
    %dma_wait3A_112 = arith.constant 0 : i32
    %dma_wait3A_113 = tpu.memref_slice %arg4[%dma_wait3A_111, %dma_wait3A_112] : memref<819200x128xf32, #tpu.memory_space<hbm>> -> memref<400x64xf32, #tpu.memory_space<hbm>>
    %dma_wait3A_114 = arith.constant 0 : i32
    %dma_wait3A_115 = arith.constant 0 : i32
    %dma_wait3A_116 = tpu.memref_slice %arg6[%dma_wait3A_106, %dma_wait3A_114, %dma_wait3A_115] : memref<4x400x64xf32, #tpu.memory_space<vmem>> -> memref<1x400x64xf32, #tpu.memory_space<vmem>>
    %dma_wait3A_117 = tpu.memref_squeeze %dma_wait3A_116 : memref<1x400x64xf32, #tpu.memory_space<vmem>> -> memref<400x64xf32, #tpu.memory_space<vmem>>
    %dma_wait3A_118 = arith.constant 0 : i32
    %dma_wait3A_119 = arith.constant 0 : i32
    %dma_wait3A_120 = tpu.memref_slice %arg4[%dma_wait3A_118, %dma_wait3A_119] : memref<819200x128xf32, #tpu.memory_space<hbm>> -> memref<400x64xf32, #tpu.memory_space<hbm>>
    tpu.wait_dma2 semaphore(%arg9 : memref<!tpu.dma_semaphore, #tpu.memory_space<semaphore_mem>>) src(%dma_wait3A_120 : memref<400x64xf32, #tpu.memory_space<hbm>>) dst(%dma_wait3A_117 : memref<400x64xf32, #tpu.memory_space<vmem>>)
    %add3A_121 = arith.constant 24800 : i32
    %add3A_122 = arith.addi %mul3A_2, %add3A_121 : i32
    %dma_start3A_123 = arith.constant 2 : i32
    %dma_start3A_124 = arith.constant 0 : i32
    %dma_start3A_125 = arith.constant 0 : i32
    %dma_start3A_126 = tpu.memref_slice %arg6[%dma_start3A_123, %dma_start3A_124, %dma_start3A_125] : memref<4x400x64xf32, #tpu.memory_space<vmem>> -> memref<1x400x64xf32, #tpu.memory_space<vmem>>
    %dma_start3A_127 = tpu.memref_squeeze %dma_start3A_126 : memref<1x400x64xf32, #tpu.memory_space<vmem>> -> memref<400x64xf32, #tpu.memory_space<vmem>>
    %dma_start3A_128 = arith.constant 0 : i32
    %dma_start3A_129 = tpu.memref_slice %arg4[%add3A_122, %dma_start3A_128] : memref<819200x128xf32, #tpu.memory_space<hbm>> -> memref<400x64xf32, #tpu.memory_space<hbm>>
    %dma_start3A_130 = arith.constant 0 : i32
    %dma_start3A_131 = tpu.memref_slice %arg4[%add3A_122, %dma_start3A_130] : memref<819200x128xf32, #tpu.memory_space<hbm>> -> memref<400x64xf32, #tpu.memory_space<hbm>>
    %dma_start3A_132 = arith.constant 0 : i32
    %dma_start3A_133 = arith.constant 0 : i32
    %dma_start3A_134 = tpu.memref_slice %arg6[%dma_start3A_123, %dma_start3A_132, %dma_start3A_133] : memref<4x400x64xf32, #tpu.memory_space<vmem>> -> memref<1x400x64xf32, #tpu.memory_space<vmem>>
    %dma_start3A_135 = tpu.memref_squeeze %dma_start3A_134 : memref<1x400x64xf32, #tpu.memory_space<vmem>> -> memref<400x64xf32, #tpu.memory_space<vmem>>
    tpu.enqueue_dma source(%dma_start3A_135 : memref<400x64xf32, #tpu.memory_space<vmem>>) target(%dma_start3A_131 : memref<400x64xf32, #tpu.memory_space<hbm>>) target_semaphore(%arg13 : memref<!tpu.dma_semaphore, #tpu.memory_space<semaphore_mem>>)
    %dma_wait3A_136 = arith.constant 3 : i32
    %dma_wait3A_137 = arith.constant 0 : i32
    %dma_wait3A_138 = arith.constant 0 : i32
    %dma_wait3A_139 = tpu.memref_slice %arg6[%dma_wait3A_136, %dma_wait3A_137, %dma_wait3A_138] : memref<4x400x64xf32, #tpu.memory_space<vmem>> -> memref<1x400x64xf32, #tpu.memory_space<vmem>>
    %dma_wait3A_140 = tpu.memref_squeeze %dma_wait3A_139 : memref<1x400x64xf32, #tpu.memory_space<vmem>> -> memref<400x64xf32, #tpu.memory_space<vmem>>
    %dma_wait3A_141 = arith.constant 0 : i32
    %dma_wait3A_142 = arith.constant 0 : i32
    %dma_wait3A_143 = tpu.memref_slice %arg4[%dma_wait3A_141, %dma_wait3A_142] : memref<819200x128xf32, #tpu.memory_space<hbm>> -> memref<400x64xf32, #tpu.memory_space<hbm>>
    %dma_wait3A_144 = arith.constant 0 : i32
    %dma_wait3A_145 = arith.constant 0 : i32
    %dma_wait3A_146 = tpu.memref_slice %arg6[%dma_wait3A_136, %dma_wait3A_144, %dma_wait3A_145] : memref<4x400x64xf32, #tpu.memory_space<vmem>> -> memref<1x400x64xf32, #tpu.memory_space<vmem>>
    %dma_wait3A_147 = tpu.memref_squeeze %dma_wait3A_146 : memref<1x400x64xf32, #tpu.memory_space<vmem>> -> memref<400x64xf32, #tpu.memory_space<vmem>>
    %dma_wait3A_148 = arith.constant 0 : i32
    %dma_wait3A_149 = arith.constant 0 : i32
    %dma_wait3A_150 = tpu.memref_slice %arg4[%dma_wait3A_148, %dma_wait3A_149] : memref<819200x128xf32, #tpu.memory_space<hbm>> -> memref<400x64xf32, #tpu.memory_space<hbm>>
    tpu.wait_dma2 semaphore(%arg10 : memref<!tpu.dma_semaphore, #tpu.memory_space<semaphore_mem>>) src(%dma_wait3A_150 : memref<400x64xf32, #tpu.memory_space<hbm>>) dst(%dma_wait3A_147 : memref<400x64xf32, #tpu.memory_space<vmem>>)
    %add3A_151 = arith.constant 25200 : i32
    %add3A_152 = arith.addi %mul3A_2, %add3A_151 : i32
    %dma_start3A_153 = arith.constant 3 : i32
    %dma_start3A_154 = arith.constant 0 : i32
    %dma_start3A_155 = arith.constant 0 : i32
    %dma_start3A_156 = tpu.memref_slice %arg6[%dma_start3A_153, %dma_start3A_154, %dma_start3A_155] : memref<4x400x64xf32, #tpu.memory_space<vmem>> -> memref<1x400x64xf32, #tpu.memory_space<vmem>>
    %dma_start3A_157 = tpu.memref_squeeze %dma_start3A_156 : memref<1x400x64xf32, #tpu.memory_space<vmem>> -> memref<400x64xf32, #tpu.memory_space<vmem>>
    %dma_start3A_158 = arith.constant 0 : i32
    %dma_start3A_159 = tpu.memref_slice %arg4[%add3A_152, %dma_start3A_158] : memref<819200x128xf32, #tpu.memory_space<hbm>> -> memref<400x64xf32, #tpu.memory_space<hbm>>
    %dma_start3A_160 = arith.constant 0 : i32
    %dma_start3A_161 = tpu.memref_slice %arg4[%add3A_152, %dma_start3A_160] : memref<819200x128xf32, #tpu.memory_space<hbm>> -> memref<400x64xf32, #tpu.memory_space<hbm>>
    %dma_start3A_162 = arith.constant 0 : i32
    %dma_start3A_163 = arith.constant 0 : i32
    %dma_start3A_164 = tpu.memref_slice %arg6[%dma_start3A_153, %dma_start3A_162, %dma_start3A_163] : memref<4x400x64xf32, #tpu.memory_space<vmem>> -> memref<1x400x64xf32, #tpu.memory_space<vmem>>
    %dma_start3A_165 = tpu.memref_squeeze %dma_start3A_164 : memref<1x400x64xf32, #tpu.memory_space<vmem>> -> memref<400x64xf32, #tpu.memory_space<vmem>>
    tpu.enqueue_dma source(%dma_start3A_165 : memref<400x64xf32, #tpu.memory_space<vmem>>) target(%dma_start3A_161 : memref<400x64xf32, #tpu.memory_space<hbm>>) target_semaphore(%arg14 : memref<!tpu.dma_semaphore, #tpu.memory_space<semaphore_mem>>)
    %dma_wait3A_166 = arith.constant 0 : i32
    %dma_wait3A_167 = arith.constant 0 : i32
    %dma_wait3A_168 = arith.constant 0 : i32
    %dma_wait3A_169 = tpu.memref_slice %arg6[%dma_wait3A_166, %dma_wait3A_167, %dma_wait3A_168] : memref<4x400x64xf32, #tpu.memory_space<vmem>> -> memref<1x400x64xf32, #tpu.memory_space<vmem>>
    %dma_wait3A_170 = tpu.memref_squeeze %dma_wait3A_169 : memref<1x400x64xf32, #tpu.memory_space<vmem>> -> memref<400x64xf32, #tpu.memory_space<vmem>>
    %dma_wait3A_171 = arith.constant 0 : i32
    %dma_wait3A_172 = arith.constant 0 : i32
    %dma_wait3A_173 = tpu.memref_slice %arg4[%dma_wait3A_171, %dma_wait3A_172] : memref<819200x128xf32, #tpu.memory_space<hbm>> -> memref<400x64xf32, #tpu.memory_space<hbm>>
    %dma_wait3A_174 = arith.constant 0 : i32
    %dma_wait3A_175 = arith.constant 0 : i32
    %dma_wait3A_176 = tpu.memref_slice %arg4[%dma_wait3A_174, %dma_wait3A_175] : memref<819200x128xf32, #tpu.memory_space<hbm>> -> memref<400x64xf32, #tpu.memory_space<hbm>>
    %dma_wait3A_177 = arith.constant 0 : i32
    %dma_wait3A_178 = arith.constant 0 : i32
    %dma_wait3A_179 = tpu.memref_slice %arg6[%dma_wait3A_166, %dma_wait3A_177, %dma_wait3A_178] : memref<4x400x64xf32, #tpu.memory_space<vmem>> -> memref<1x400x64xf32, #tpu.memory_space<vmem>>
    %dma_wait3A_180 = tpu.memref_squeeze %dma_wait3A_179 : memref<1x400x64xf32, #tpu.memory_space<vmem>> -> memref<400x64xf32, #tpu.memory_space<vmem>>
    tpu.wait_dma2 semaphore(%arg11 : memref<!tpu.dma_semaphore, #tpu.memory_space<semaphore_mem>>) src(%dma_wait3A_180 : memref<400x64xf32, #tpu.memory_space<vmem>>) dst(%dma_wait3A_176 : memref<400x64xf32, #tpu.memory_space<hbm>>)
    %dma_wait3A_181 = arith.constant 1 : i32
    %dma_wait3A_182 = arith.constant 0 : i32
    %dma_wait3A_183 = arith.constant 0 : i32
    %dma_wait3A_184 = tpu.memref_slice %arg6[%dma_wait3A_181, %dma_wait3A_182, %dma_wait3A_183] : memref<4x400x64xf32, #tpu.memory_space<vmem>> -> memref<1x400x64xf32, #tpu.memory_space<vmem>>
    %dma_wait3A_185 = tpu.memref_squeeze %dma_wait3A_184 : memref<1x400x64xf32, #tpu.memory_space<vmem>> -> memref<400x64xf32, #tpu.memory_space<vmem>>
    %dma_wait3A_186 = arith.constant 0 : i32
    %dma_wait3A_187 = arith.constant 0 : i32
    %dma_wait3A_188 = tpu.memref_slice %arg4[%dma_wait3A_186, %dma_wait3A_187] : memref<819200x128xf32, #tpu.memory_space<hbm>> -> memref<400x64xf32, #tpu.memory_space<hbm>>
    %dma_wait3A_189 = arith.constant 0 : i32
    %dma_wait3A_190 = arith.constant 0 : i32
    %dma_wait3A_191 = tpu.memref_slice %arg4[%dma_wait3A_189, %dma_wait3A_190] : memref<819200x128xf32, #tpu.memory_space<hbm>> -> memref<400x64xf32, #tpu.memory_space<hbm>>
    %dma_wait3A_192 = arith.constant 0 : i32
    %dma_wait3A_193 = arith.constant 0 : i32
    %dma_wait3A_194 = tpu.memref_slice %arg6[%dma_wait3A_181, %dma_wait3A_192, %dma_wait3A_193] : memref<4x400x64xf32, #tpu.memory_space<vmem>> -> memref<1x400x64xf32, #tpu.memory_space<vmem>>
    %dma_wait3A_195 = tpu.memref_squeeze %dma_wait3A_194 : memref<1x400x64xf32, #tpu.memory_space<vmem>> -> memref<400x64xf32, #tpu.memory_space<vmem>>
    tpu.wait_dma2 semaphore(%arg12 : memref<!tpu.dma_semaphore, #tpu.memory_space<semaphore_mem>>) src(%dma_wait3A_195 : memref<400x64xf32, #tpu.memory_space<vmem>>) dst(%dma_wait3A_191 : memref<400x64xf32, #tpu.memory_space<hbm>>)
    %dma_wait3A_196 = arith.constant 2 : i32
    %dma_wait3A_197 = arith.constant 0 : i32
    %dma_wait3A_198 = arith.constant 0 : i32
    %dma_wait3A_199 = tpu.memref_slice %arg6[%dma_wait3A_196, %dma_wait3A_197, %dma_wait3A_198] : memref<4x400x64xf32, #tpu.memory_space<vmem>> -> memref<1x400x64xf32, #tpu.memory_space<vmem>>
    %dma_wait3A_200 = tpu.memref_squeeze %dma_wait3A_199 : memref<1x400x64xf32, #tpu.memory_space<vmem>> -> memref<400x64xf32, #tpu.memory_space<vmem>>
    %dma_wait3A_201 = arith.constant 0 : i32
    %dma_wait3A_202 = arith.constant 0 : i32
    %dma_wait3A_203 = tpu.memref_slice %arg4[%dma_wait3A_201, %dma_wait3A_202] : memref<819200x128xf32, #tpu.memory_space<hbm>> -> memref<400x64xf32, #tpu.memory_space<hbm>>
    %dma_wait3A_204 = arith.constant 0 : i32
    %dma_wait3A_205 = arith.constant 0 : i32
    %dma_wait3A_206 = tpu.memref_slice %arg4[%dma_wait3A_204, %dma_wait3A_205] : memref<819200x128xf32, #tpu.memory_space<hbm>> -> memref<400x64xf32, #tpu.memory_space<hbm>>
    %dma_wait3A_207 = arith.constant 0 : i32
    %dma_wait3A_208 = arith.constant 0 : i32
    %dma_wait3A_209 = tpu.memref_slice %arg6[%dma_wait3A_196, %dma_wait3A_207, %dma_wait3A_208] : memref<4x400x64xf32, #tpu.memory_space<vmem>> -> memref<1x400x64xf32, #tpu.memory_space<vmem>>
    %dma_wait3A_210 = tpu.memref_squeeze %dma_wait3A_209 : memref<1x400x64xf32, #tpu.memory_space<vmem>> -> memref<400x64xf32, #tpu.memory_space<vmem>>
    tpu.wait_dma2 semaphore(%arg13 : memref<!tpu.dma_semaphore, #tpu.memory_space<semaphore_mem>>) src(%dma_wait3A_210 : memref<400x64xf32, #tpu.memory_space<vmem>>) dst(%dma_wait3A_206 : memref<400x64xf32, #tpu.memory_space<hbm>>)
    %dma_wait3A_211 = arith.constant 3 : i32
    %dma_wait3A_212 = arith.constant 0 : i32
    %dma_wait3A_213 = arith.constant 0 : i32
    %dma_wait3A_214 = tpu.memref_slice %arg6[%dma_wait3A_211, %dma_wait3A_212, %dma_wait3A_213] : memref<4x400x64xf32, #tpu.memory_space<vmem>> -> memref<1x400x64xf32, #tpu.memory_space<vmem>>
    %dma_wait3A_215 = tpu.memref_squeeze %dma_wait3A_214 : memref<1x400x64xf32, #tpu.memory_space<vmem>> -> memref<400x64xf32, #tpu.memory_space<vmem>>
    %dma_wait3A_216 = arith.constant 0 : i32
    %dma_wait3A_217 = arith.constant 0 : i32
    %dma_wait3A_218 = tpu.memref_slice %arg4[%dma_wait3A_216, %dma_wait3A_217] : memref<819200x128xf32, #tpu.memory_space<hbm>> -> memref<400x64xf32, #tpu.memory_space<hbm>>
    %dma_wait3A_219 = arith.constant 0 : i32
    %dma_wait3A_220 = arith.constant 0 : i32
    %dma_wait3A_221 = tpu.memref_slice %arg4[%dma_wait3A_219, %dma_wait3A_220] : memref<819200x128xf32, #tpu.memory_space<hbm>> -> memref<400x64xf32, #tpu.memory_space<hbm>>
    %dma_wait3A_222 = arith.constant 0 : i32
    %dma_wait3A_223 = arith.constant 0 : i32
    %dma_wait3A_224 = tpu.memref_slice %arg6[%dma_wait3A_211, %dma_wait3A_222, %dma_wait3A_223] : memref<4x400x64xf32, #tpu.memory_space<vmem>> -> memref<1x400x64xf32, #tpu.memory_space<vmem>>
    %dma_wait3A_225 = tpu.memref_squeeze %dma_wait3A_224 : memref<1x400x64xf32, #tpu.memory_space<vmem>> -> memref<400x64xf32, #tpu.memory_space<vmem>>
    tpu.wait_dma2 semaphore(%arg14 : memref<!tpu.dma_semaphore, #tpu.memory_space<semaphore_mem>>) src(%dma_wait3A_225 : memref<400x64xf32, #tpu.memory_space<vmem>>) dst(%dma_wait3A_221 : memref<400x64xf32, #tpu.memory_space<hbm>>)
    return
  }
}

</mosaic_0001>

<sc_bundles>
// kernel: kernel.3.cloned.1.call-start
scs
__scs_entry_jumppad:
0x0: {  	(pc) =	sbr.rel $0x88, $3  }
0x1: {  	(tag) =	ssettag $0x0;
	lr =	simm.s32 $0x1  }
0x2: {  	[smem:$0x3F9F] =	sst lr;
	_ =	strace $0xD0000000  }
0x3: {  	_ = 	snop  }
0x4: {  	_ = 	snop  }
0x5: {  	_ = 	snop  }
0x6: {  	_ = 	snop  }
0x7: {  	_ = 	snop  }
__scs_overlays_trampoline_lowered:
0x8: {  	[smem:$0x3FAE] =	sst s0  }
0x9: {  	[smem:$0x3FAF] =	sst s1  }
0xa: {  	[smem:$0x3FB0] =	sst s2  }
0xb: {  	[smem:$0x3FB1] =	sst s3  }
0xc: {  	[smem:$0x3FB2] =	sst s4  }
0xd: {  	[smem:$0x3FB3] =	sst s5  }
0xe: {  	[smem:$0x3FB4] =	sst s6  }
0xf: {  	[smem:$0x3FB5] =	sst s7  }
0x10: {  	[smem:$0x3FB6] =	sst s8  }
0x11: {  	[smem:$0x3FB7] =	sst s9;
	s0 =	simm.s32 @!p0 $0x0  }
0x12: {  	s1 =	sld [smem:$0x3F9D];
	s0 =	simm.s32 @p0 $0x1  }
0x13: {  	[smem:$0x3FB8] =	sst s0;
	s0 =	simm.s32 @!p1 $0x0  }
0x14: {  	s2 =	sld [smem:$0x3F9C];
	s0 =	simm.s32 @p1 $0x1  }
0x15: {  	[smem:$0x3FB9] =	sst s0;
	s0 =	simm.s32 @!p2 $0x0  }
0x16: {  	s3 =	sld [smem:$0x3FDB];
	s0 =	simm.s32 @p2 $0x1  }
0x17: {  	s4 =	simm.s32 $0x1BF5;
	[smem:$0x3FBB] =	sst s0  }
0x18: {  	s0 =	sld [smem:$0x3F9E];
	_ =	swait.ge [sflag:s4], $0x0  }
0x19: {  	s7 =	sld [smem:$0x3F9F]  }
0x1a: {  	s8 =	sadd.s32 $0xFFFFE003, lr  }
0x1b: {  	s9 =	sadd.s32 $0xFFFFFEF7, lr;
	s5 =	simm.s32 $0xFFFFFFFF;
	p2 =	slt.u32 s8, $0xFFFFF086  }
0x1c: {  	p1 =	slt.u32 s9, $0xF7A;
	s5 =	simm.s32 @!p2 $0x0  }
0x1d: {  	s5 =	simm.s32 @p1 $0x1;
	p0 =	seq.s32 s7, s2  }
0x1e: {  	s7 =	smul.u32 @!p0 $0xF7A, s2;
	p2 =	seq.s32 @!p0 s5, $0x0  }
0x1f: {  	s9 =	smul.u32 $0xF7A, s1;
	s8 =	simm.s32 @!p0 $0x1BF5;
	p2 =	por !p2, p0  }
0x20: {  	[sflag:s8] =	ssyncset.s32 @!p0 $0xFFFFF086;
	s6 =	sadd.s32 @!p0 s3, s7;
	s7 =	simm.s32 @!p0 $0x108  }
0x21: {  	s3 =	sadd.s32 s3, s9;
	s6 =	sadd.s32 @!p0 $0x88, s6;
	s7 =	simm.s32 @p2 $0x1082  }
0x22: {  	[simem:s7], [sflag:s8] =	dma.local @!p0 [hbm:s6], $0xF7A  }
0x23: {  	s9 =	sor.u32 $0xD0000000, s2;
	s6 =	simm.s32 $0x108;
	_ =	swait.ge @!p0 [sflag:s8], $0x0  }
0x24: {  	s3 =	sadd.s32 $0x88, s3;
	s6 =	simm.s32 @!p1 $0x1082;
	[sflag:s4] =	ssyncset.s32 $0xFFFFF086  }
0x25: {  	[simem:s6], [sflag:s4] =	dma.local [hbm:s3], $0xF7A  }
0x26: {  	[smem:$0x3F9F] =	sst s1;
	(tag) =	ssettag s2;
	_ =	strace s9  }
0x27: {  	s1 =	sld [smem:$0x3FAF]  }
0x28: {  	s2 =	sld [smem:$0x3FB0]  }
0x29: {  	s4 =	sld [smem:$0x3FB2]  }
0x2a: {  	p0 =	seq.s32 s5, $0x0;
	s5 =	sld [smem:$0x3FB3]  }
0x2b: {  	s6 =	sld [smem:$0x3FB4]  }
0x2c: {  	s7 =	sld [smem:$0x3FB5]  }
0x2d: {  	s3 =	simm.s32 $0x108;
	s8 =	sld [smem:$0x3FB6]  }
0x2e: {  	s3 =	simm.s32 @!p0 $0x1082;
	s9 =	sld [smem:$0x3FB7]  }
0x2f: {  	lr =	sadd.s32 s0, s3;
	s0 =	sld [smem:$0x3FAE]  }
0x30: {  	s3 =	sld [smem:$0x3FB1]  }
0x31: {  	[smem:$0x3FBA] =	sst s10  }
0x32: {  	s10 =	sld [smem:$0x3FB8];
	_ =	sdelay $0x3  }
0x33: {  	p0 =	seq.s32 s10, $0x1;
	s10 =	sld [smem:$0x3FBA];
	_ =	sdelay $0x3  }
0x34: {  	[smem:$0x3FBA] =	sst s10  }
0x35: {  	s10 =	sld [smem:$0x3FB9];
	_ =	sdelay $0x3  }
0x36: {  	p1 =	seq.s32 s10, $0x1;
	s10 =	sld [smem:$0x3FBA];
	_ =	sdelay $0x3  }
0x37: {  	[smem:$0x3FBA] =	sst s10  }
0x38: {  	s10 =	sld [smem:$0x3FBB]  }
0x39: {  	_ = 	snop;
	(pc) =	sbr.ind lr, $3  }
0x3a: {  	_ = 	snop  }
0x3b: {  	_ = 	snop  }
0x3c: {  	p2 =	seq.s32 s10, $0x1;
	s10 =	sld [smem:$0x3FBA]  }
0x3d: {  	_ =	shalt  }
0x3e: {  	_ =	shalt  }
0x3f: {  	_ =	shalt  }
0x40: {  	_ =	shalt  }
0x41: {  	_ =	shalt  }
0x42: {  	_ =	shalt  }
0x43: {  	_ =	shalt  }
0x44: {  	_ =	shalt  }
0x45: {  	_ =	shalt  }
0x46: {  	_ =	shalt  }
0x47: {  	_ =	shalt  }
0x48: {  	_ =	shalt  }
0x49: {  	_ =	shalt  }
0x4a: {  	_ =	shalt  }
0x4b: {  	_ =	shalt  }
0x4c: {  	_ =	shalt  }
0x4d: {  	_ =	shalt  }
0x4e: {  	_ =	shalt  }
0x4f: {  	_ =	shalt  }
0x50: {  	_ =	shalt  }
0x51: {  	_ =	shalt  }
0x52: {  	_ =	shalt  }
0x53: {  	_ =	shalt  }
0x54: {  	_ =	shalt  }
0x55: {  	_ =	shalt  }
0x56: {  	_ =	shalt  }
0x57: {  	_ =	shalt  }
0x58: {  	_ =	shalt  }
0x59: {  	_ =	shalt  }
0x5a: {  	_ =	shalt  }
0x5b: {  	_ =	shalt  }
0x5c: {  	_ =	shalt  }
0x5d: {  	_ =	shalt  }
0x5e: {  	_ =	shalt  }
0x5f: {  	_ =	shalt  }
0x60: {  	_ =	shalt  }
0x61: {  	_ =	shalt  }
0x62: {  	_ =	shalt  }
0x63: {  	_ =	shalt  }
0x64: {  	_ =	shalt  }
0x65: {  	_ =	shalt  }
0x66: {  	_ =	shalt  }
0x67: {  	_ =	shalt  }
0x68: {  	_ =	shalt  }
0x69: {  	_ =	shalt  }
0x6a: {  	_ =	shalt  }
0x6b: {  	_ =	shalt  }
0x6c: {  	_ =	shalt  }
0x6d: {  	_ =	shalt  }
0x6e: {  	_ =	shalt  }
0x6f: {  	_ =	shalt  }
0x70: {  	_ =	shalt  }
0x71: {  	_ =	shalt  }
0x72: {  	_ =	shalt  }
0x73: {  	_ =	shalt  }
0x74: {  	_ =	shalt  }
0x75: {  	_ =	shalt  }
0x76: {  	_ =	shalt  }
0x77: {  	_ =	shalt  }
0x78: {  	_ =	shalt  }
0x79: {  	_ =	shalt  }
0x7a: {  	_ =	shalt  }
0x7b: {  	_ =	shalt  }
0x7c: {  	_ =	shalt  }
0x7d: {  	_ =	shalt  }
0x7e: {  	_ =	shalt  }
0x7f: {  	_ =	shalt  }
0x80: {  	_ =	shalt  }
0x81: {  	_ =	shalt  }
0x82: {  	_ =	shalt  }
0x83: {  	_ =	shalt  }
0x84: {  	_ =	shalt  }
0x85: {  	_ =	shalt  }
0x86: {  	_ =	shalt  }
0x87: {  	_ =	shalt  }
.Lfunc_end0:
.L_simem_size_0:
called_computation.1_lowered:
.L_overlay_start_0:
0x88: {  	s2 =	sld [smem:$0x3FD9]  }
0x89: {  	s3 =	sld [smem:$0x3FFE];
	_ =	sdelay $0x1  }
0x8a: {  	s1 =	srdreg.scid  }
0x8b: {  	s0 =	sand.u32 $0x1, s1  }
0x8c: {  	s17 =	sshll.u32 s0, $0xA;
	s2 =	sadd.s32 s3, s2  }
0x8d: {  	s2 =	sadd.s32 s2, s17  }
0x8e: {  	[smem:$0x3FC6] =	sst s2  }
0x8f: {  	_ = 	snop  }
0x90: {  	s2 =	sld [smem:$0x3FD0];
	(tm) =	ssettm $0x1  }
0x91: {  	s18 =	sld [smem:$0x3FFB];
	_ =	sdelay $0x3  }
0x92: {  	_ =	strace s18  }
0x93: {  	s3 =	sld [smem:$0x3FFC];
	_ =	sdelay $0x3  }
0x94: {  	_ =	strace s3  }
0x95: {  	s3 =	sld [smem:$0x3FFD];
	_ =	sdelay $0x3  }
0x96: {  	_ =	strace s3  }
0x97: {  	_ =	strace $0x8FFFFFFF  }
0x98: {  	s19 =	sld [smem:$0x3FDB];
	_ =	sdelay $0x1  }
0x99: {  	s4 =	simm.s32 $_scs_section_size  }
0x9a: {  	s5 =	simm.s32 $_size__tile_overlayer_lowered;
	s6 =	simm.s32 $_tile_overlayer_lowered  }
0x9b: {  	s22 =	simm.s32 $0x1BFF;
	s21 =	sshll.u32 s6, $0x1;
	s3 =	sadd.s32 s4, s19  }
0x9c: {  	s7 =	simm.s32 $0x0;
	s20 =	sshll.u32 s5, $0x1;
	s5 =	sadd.s32 s21, s3  }
0x9d: {  	[timem:s7], [sflag:s22] =	dma.local [hbm:s5], s20  }
0x9e: {  	_ =	swait.ge [sflag:s22], s20  }
0x9f: {  	s4 =	ssub.s32 $0x0, s20;
	[sflag:s22] =	ssyncset.done $0x0  }
0xa0: {  	[sflag:s22] =	ssyncadd.s32 s4;
	_ =	sdelay $0x1  }
0xa1: {  	s23 =	simm.s32 $0x1B8B  }
0xa2: {  	_ =	swait.ge [sflag:s23], $0x1  }
0xa3: {  	[sflag:s23] =	ssyncset.done $0x0  }
0xa4: {  	s25 =	simm.s32 $0x1B8E;
	s24 =	sld [smem:$0x3FFE];
	[sflag:s23] =	ssyncadd.s32 $0xFFFFFFFF  }
0xa5: {  	s26 =	simm.s32 $execute0_lowered;
	[smem:$0x3FD2] =	sst s25  }
0xa6: {  	s5 =	sshll.u32 s26, $0x1;
	_ =	strace $0x80000046;
	[dreg:$0x1] =	wrdreg $0xFFFFFFFF  }
0xa7: {  	s28 =	simm.s32 $_size_execute0_lowered;
	s3 =	sadd.s32 s3, s5;
	[dreg:$0x0] =	wrdreg $0x0  }
0xa8: {  	s5 =	sshll.u32 s28, $0x1;
	[dreg:$0x2] =	wrdreg s3  }
0xa9: {  	[dreg:$0x3] =	wrdreg s5  }
0xaa: {  	[dreg:$0x4] =	wrdreg $0xC0  }
0xab: {  	_ =	task [dreg:s7], $0x5FFFF  }
0xac: {  	[dreg:$0x1] =	wrdreg $0xFFFFFFFF  }
0xad: {  	[dreg:$0x0] =	wrdreg $0x60  }
0xae: {  	[dreg:$0x2] =	wrdreg s24  }
0xaf: {  	[dreg:$0x3] =	wrdreg s2  }
0xb0: {  	[dreg:$0x4] =	wrdreg $0x9  }
0xb1: {  	_ =	task.clear_ibuf [dreg:s7], $0x5FFFF;
	_ =	strace $0x90000046  }
0xb2: {  	s29 =	simm.s32 $0x9;
	_ =	strace $0x80000048  }
0xb3: {  	_ =	swait.ge [sflag:s29], $0x1  }
0xb4: {  	[sflag:s29] =	ssyncadd.s32 $0xFFFFFFFF  }
0xb5: {  	_ =	strace $0x90000048  }
0xb6: {  	_ =	sfence  }
0xb7: {  	s30 =	sld [smem:$0x0];
	_ =	sdelay $0x2  }
0xb8: {  	s31 =	sshll.u32 s1, $0xD;
	s1 =	sshrl.u32 s1, $0x2  }
0xb9: {  	s3 =	sand.u32 $0x4000, s31;
	s1 =	sadd.s32 s1, s30  }
0xba: {  	s0 =	sor.u32 s3, s0;
	s1 =	sshll.u32 s1, $0x11  }
0xbb: {  	s0 =	sor.u32 s1, s0  }
0xbc: {  	s0 =	sadd.s32 $0x8F2B, s0  }
0xbd: {  	[sflag:s0] =	ssyncadd.remote.s32 $0x1  }
0xbe: {  	_ =	sfence.sel $0xFFFF  }
0xbf: {  	[dreg:$0x0] =	wrdreg $0xFFFFFFFF;
	(pc) =	sbr.abs _section_cstart, $3  }
0xc0: {  	[dreg:$0x1] =	wrdreg $0xFFFFFFFF  }
0xc1: {  	_ =	task.clear_ibuf [dreg:s7], $0x2FFFF;
	_ =	strace $0x9FFFFFFF  }
0xc2: {  	(tm) =	ssettm $0x7FFFFFFF  }
0xc3: {  	_ =	shalt  }
tec
execute0_lowered:
.L_overlay_start_1:
0x0: {  	(tag) =	ssettag $0x1  }
0x1: {  	s0 =	rddreg [dreg:$0x0]  }
0x2: {  	s1 =	srdreg.scid;
	s8 =	stileid.u32  }
0x3: {  	s2 =	rddreg [dreg:$0x1];
	s5 =	simm.s32 $0x0;
	s14 =	simm.s32 $0x9  }
0x4: {  	s15 =	simm.s32 $0x190;
	s16 =	simm.s32 $0x6400;
	s17 =	simm.s32 $0xC800  }
0x5: {  	s19 =	simm.s32 $0x12C00;
	s20 =	simm.s32 $0x1;
	s21 =	simm.s32 $0x40  }
0x6: {  	s28 =	simm.s32 $0x3;
	s29 =	simm.s32 $0x6;
	s1 =	sand.u32 $0x1, s1  }
0x7: {  	s3 =	sshll.u32 s8, $0x1;
	[smem:$0x7FF] =	sst s5;
	s8 =	smul.u32 $0xC800, s8  }
0x8: {  	s4 =	sor.u32 s1, s3;
	s7 =	ssub.s32 $0x2, s1;
	s1 =	smul.u32 $0x6400, s1  }
0x9: {  	s30 =	simm.s32 $0x4;
	_ =	strace $0x80000047;
	s22 =	smul.u32 $0x6400, s4  }
0xa: {  	s31 =	simm.s32 $0x7;
	s3 =	sadd.s32 $0xF42E00, s0;
	s6 =	smul.u32 $0x320000, s4  }
0xb: {  	s0 =	sadd.s32 $0xA00, s0;
	s9 =	sshrl.u32 s7, $0x1;
	s4 =	smul.u32 $0x64000, s4  }
0xc: {  	s7 =	ssub.s32 s7, s9;
	s1 =	sadd.s32 s1, s8;
	s5 =	sshrl.u32 s22, $0x3  }
0xd: {  	s23 =	sshrl.u32 s6, $0x3;
	s4 =	sadd.s32 s0, s4;
	s1 =	sshll.u32 s1, $0x4  }
0xe: {  	s9 =	smax.u32 s7, $0x1;
	s22 =	simm.s32 $0x80;
	s2 =	sadd.s32 s2, s5  }
0xf: {  	[dreg:$0x4] =	wrdreg s4;
	s4 =	sadd.s32 $0x1900, s4;
	s25 =	sadd.s32 $0x20004B00, s1  }
0x10: {  	s1 =	sadd.s32 s0, s1;
	[dreg:$0x3] =	wrdreg s2;
	s2 =	sadd.s32 s0, s23  }
0x11: {  	[dreg:$0x5] =	wrdreg s4;
	s26 =	sand.u32 $0x3FFCB00, s25;
	s11 =	sadd.s32 $0x3200, s1  }
0x12: {  	s7 =	sadd.s32 $0x7D00, s1;
	s13 =	sadd.s32 $0x6400, s1;
	s25 =	simm.s32 $0x2  }
0x13: {  	s1 =	simm.s32 $0x8;
	s24 =	sadd.s32 $0x60E00, s2;
	s2 =	sadd.s32 $0x62700, s2  }
0x14: {  	s10 =	sadd.s32 s26, s0;
	s26 =	simm.s32 $0x5;
	[dreg:$0x6] =	wrdreg s24  }
0x15: {  	s0 =	simm.s32 $0x0;
	[dreg:$0x7] =	wrdreg s2;
	s24 =	simm.s32 $0x19000  }
.LBB2_1:
0x16: {  	s2 =	simm.s32 $0x0;
	s4 =	rddreg [dreg:$0x3]  }
0x17: {  	[tilespmem:s2], [sflag:$0x9] =	stream.linear.gather [hbm4b:s4+s2], $0x6400, $0x38;
	[tilespmem:$0x1F400] =	vst v63  }
0x18: {  	_ =	swait.ge [sflag:s14], $0x6400  }
0x19: {  	[sflag:s14] =	ssyncset.done $0x0  }
0x1a: {  	[sflag:s14] =	ssyncadd.s32 $0xFFFF9C00  }
0x1b: {  	[tilespmem:s16], [sflag:$0x1] =	stream.indirect.gather [hbm4b:s3+s15], $0x40, s2, s15, $0xb8;
	[tilespmem:$0x1F400] =	vst v63  }
0x1c: {  	_ = 	snop  }
0x1d: {  	[tilespmem:s17], [sflag:$0x2] =	stream.indirect.gather [hbm4b:s3+s15], $0x40, s15, s15, $0xb8;
	[tilespmem:$0x1F400] =	vst v63  }
0x1e: {  	s23 =	simm.s32 $0x320  }
0x1f: {  	[tilespmem:s19], [sflag:$0x3] =	stream.indirect.gather [hbm4b:s3+s15], $0x40, s23, s15, $0xb8;
	[tilespmem:$0x1F400] =	vst v63  }
0x20: {  	_ =	swait.ge [sflag:s20], $0x6400  }
0x21: {  	[sflag:s20] =	ssyncset.done $0x0  }
0x22: {  	s4 =	rddreg [dreg:$0x4];
	[sflag:s20] =	ssyncadd.s32 $0xFFFF9C00  }
0x23: {  	[hbm4b:s4+s21] =	stream.strided.scatter [tilespmem:s16], [sflag:$0x5], $0x6400, s22, s21, $0x38;
	[tilespmem:$0x1F400] =	vst v63  }
0x24: {  	s5 =	simm.s32 $0x4B0  }
0x25: {  	[tilespmem:s24], [sflag:$0x4] =	stream.indirect.gather [hbm4b:s3+s15], $0x40, s5, s15, $0xb8;
	[tilespmem:$0x1F400] =	vst v63  }
0x26: {  	_ =	swait.ge [sflag:s25], $0x6400  }
0x27: {  	[sflag:s25] =	ssyncset.done $0x0  }
0x28: {  	s6 =	rddreg [dreg:$0x5];
	[sflag:s25] =	ssyncadd.s32 $0xFFFF9C00  }
0x29: {  	[hbm4b:s6+s21] =	stream.strided.scatter [tilespmem:s17], [sflag:$0x6], $0x6400, s22, s21, $0x38;
	[tilespmem:$0x1F400] =	vst v63  }
0x2a: {  	_ =	swait.ge [sflag:s26], $0x6400  }
0x2b: {  	[sflag:s26] =	ssyncset.done $0x0  }
0x2c: {  	s8 =	simm.s32 $0x640;
	[sflag:s26] =	ssyncadd.s32 $0xFFFF9C00  }
0x2d: {  	[tilespmem:s16], [sflag:$0x1] =	stream.indirect.gather [hbm4b:s3+s15], $0x40, s8, s15, $0xb8;
	[tilespmem:$0x1F400] =	vst v63  }
0x2e: {  	_ =	swait.ge [sflag:s28], $0x6400  }
0x2f: {  	[sflag:s28] =	ssyncset.done $0x0  }
0x30: {  	[sflag:s28] =	ssyncadd.s32 $0xFFFF9C00  }
0x31: {  	[hbm4b:s11+s21] =	stream.strided.scatter [tilespmem:s19], [sflag:$0x7], $0x6400, s22, s21, $0x38;
	[tilespmem:$0x1F400] =	vst v63  }
0x32: {  	_ =	swait.ge [sflag:s29], $0x6400  }
0x33: {  	[sflag:s29] =	ssyncset.done $0x0  }
0x34: {  	s12 =	simm.s32 $0x7D0;
	[sflag:s29] =	ssyncadd.s32 $0xFFFF9C00  }
0x35: {  	[tilespmem:s17], [sflag:$0x2] =	stream.indirect.gather [hbm4b:s3+s15], $0x40, s12, s15, $0xb8;
	[tilespmem:$0x1F400] =	vst v63  }
0x36: {  	_ =	swait.ge [sflag:s30], $0x6400  }
0x37: {  	[sflag:s30] =	ssyncset.done $0x0  }
0x38: {  	[sflag:s30] =	ssyncadd.s32 $0xFFFF9C00  }
0x39: {  	[hbm4b:s10+s21] =	stream.strided.scatter [tilespmem:s24], [sflag:$0x8], $0x6400, s22, s21, $0x38;
	[tilespmem:$0x1F400] =	vst v63  }
0x3a: {  	_ =	swait.ge [sflag:s31], $0x6400  }
0x3b: {  	[sflag:s31] =	ssyncset.done $0x0  }
0x3c: {  	s18 =	simm.s32 $0x960;
	[sflag:s31] =	ssyncadd.s32 $0xFFFF9C00  }
0x3d: {  	[tilespmem:s19], [sflag:$0x3] =	stream.indirect.gather [hbm4b:s3+s15], $0x40, s18, s15, $0xb8;
	[tilespmem:$0x1F400] =	vst v63  }
0x3e: {  	_ =	swait.ge [sflag:s20], $0x6400  }
0x3f: {  	[sflag:s20] =	ssyncset.done $0x0  }
0x40: {  	[sflag:s20] =	ssyncadd.s32 $0xFFFF9C00  }
0x41: {  	[hbm4b:s13+s21] =	stream.strided.scatter [tilespmem:s16], [sflag:$0x5], $0x6400, s22, s21, $0x38;
	[tilespmem:$0x1F400] =	vst v63  }
0x42: {  	_ =	swait.ge [sflag:s1], $0x6400  }
0x43: {  	[sflag:s1] =	ssyncset.done $0x0  }
0x44: {  	s23 =	simm.s32 $0xAF0;
	[sflag:s1] =	ssyncadd.s32 $0xFFFF9C00  }
0x45: {  	[tilespmem:s24], [sflag:$0x4] =	stream.indirect.gather [hbm4b:s3+s15], $0x40, s23, s15, $0xb8;
	[tilespmem:$0x1F400] =	vst v63  }
0x46: {  	s2 =	sadd.s32 $0x6400, s13;
	s4 =	sadd.s32 $0x6400, s10;
	_ =	swait.ge [sflag:s25], $0x6400  }
0x47: {  	s6 =	sadd.s32 $0x6400, s11;
	s12 =	smov.u32 s7;
	[sflag:s25] =	ssyncset.done $0x0  }
0x48: {  	s18 =	simm.s32 $0x1900;
	s23 =	sadd.s32 $0x6400, s7;
	[sflag:s25] =	ssyncadd.s32 $0xFFFF9C00  }
.LBB2_2:
0x49: {  	[hbm4b:s12+s21] =	stream.strided.scatter [tilespmem:s17], [sflag:$0x6], $0x6400, s22, s21, $0x38;
	[tilespmem:$0x1F400] =	vst v63  }
0x4a: {  	s8 =	smov.u32 s18;
	s12 =	smov.u32 s23  }
0x4b: {  	p0 =	sne.s32 s18, $0x15E00;
	s18 =	sadd.s32 $0x1900, s18;
	_ =	swait.ge [sflag:s26], $0x6400  }
0x4c: {  	s8 =	sshra.s32 s8, $0x2;
	[sflag:s26] =	ssyncset.done $0x0  }
0x4d: {  	s5 =	sadd.s32 $0x640, s8;
	[sflag:s26] =	ssyncadd.s32 $0xFFFF9C00  }
0x4e: {  	[tilespmem:s16], [sflag:$0x1] =	stream.indirect.gather [hbm4b:s3+s15], $0x40, s5, s15, $0xb8;
	[tilespmem:$0x1F400] =	vst v63  }
0x4f: {  	_ =	swait.ge [sflag:s28], $0x6400  }
0x50: {  	[sflag:s28] =	ssyncset.done $0x0  }
0x51: {  	[sflag:s28] =	ssyncadd.s32 $0xFFFF9C00  }
0x52: {  	[hbm4b:s6+s21] =	stream.strided.scatter [tilespmem:s19], [sflag:$0x7], $0x6400, s22, s21, $0x38;
	[tilespmem:$0x1F400] =	vst v63  }
0x53: {  	_ =	swait.ge [sflag:s29], $0x6400  }
0x54: {  	[sflag:s29] =	ssyncset.done $0x0  }
0x55: {  	s5 =	sadd.s32 $0x7D0, s8;
	[sflag:s29] =	ssyncadd.s32 $0xFFFF9C00  }
0x56: {  	[tilespmem:s17], [sflag:$0x2] =	stream.indirect.gather [hbm4b:s3+s15], $0x40, s5, s15, $0xb8;
	[tilespmem:$0x1F400] =	vst v63  }
0x57: {  	_ =	swait.ge [sflag:s30], $0x6400  }
0x58: {  	[sflag:s30] =	ssyncset.done $0x0  }
0x59: {  	[sflag:s30] =	ssyncadd.s32 $0xFFFF9C00  }
0x5a: {  	[hbm4b:s4+s21] =	stream.strided.scatter [tilespmem:s24], [sflag:$0x8], $0x6400, s22, s21, $0x38;
	[tilespmem:$0x1F400] =	vst v63  }
0x5b: {  	_ =	swait.ge [sflag:s31], $0x6400  }
0x5c: {  	[sflag:s31] =	ssyncset.done $0x0  }
0x5d: {  	s5 =	sadd.s32 $0x960, s8;
	[sflag:s31] =	ssyncadd.s32 $0xFFFF9C00  }
0x5e: {  	[tilespmem:s19], [sflag:$0x3] =	stream.indirect.gather [hbm4b:s3+s15], $0x40, s5, s15, $0xb8;
	[tilespmem:$0x1F400] =	vst v63  }
0x5f: {  	_ =	swait.ge [sflag:s20], $0x6400  }
0x60: {  	[sflag:s20] =	ssyncset.done $0x0  }
0x61: {  	[sflag:s20] =	ssyncadd.s32 $0xFFFF9C00  }
0x62: {  	[hbm4b:s2+s21] =	stream.strided.scatter [tilespmem:s16], [sflag:$0x5], $0x6400, s22, s21, $0x38;
	[tilespmem:$0x1F400] =	vst v63  }
0x63: {  	_ =	swait.ge [sflag:s1], $0x6400  }
0x64: {  	[sflag:s1] =	ssyncset.done $0x0  }
.Ltmp0:
0x65: {  	s5 =	sadd.s32 $0xAF0, s8;
	[sflag:s1] =	ssyncadd.s32 $0xFFFF9C00;
	(pc) =	sbr.rel @p0 .LBB2_2-.Ltmp0, $4  }
0x66: {  	[tilespmem:s24], [sflag:$0x4] =	stream.indirect.gather [hbm4b:s3+s15], $0x40, s5, s15, $0xb8;
	[tilespmem:$0x1F400] =	vst v63  }
0x67: {  	_ =	swait.ge [sflag:s25], $0x6400  }
0x68: {  	s23 =	sadd.s32 $0x6400, s23;
	s2 =	sadd.s32 $0x6400, s2;
	[sflag:s25] =	ssyncset.done $0x0  }
0x69: {  	s6 =	sadd.s32 $0x6400, s6;
	s4 =	sadd.s32 $0x6400, s4;
	[sflag:s25] =	ssyncadd.s32 $0xFFFF9C00  }
0x6a: {  	[hbm4b:s12+s21] =	stream.strided.scatter [tilespmem:s17], [sflag:$0x6], $0x6400, s22, s21, $0x38;
	[tilespmem:$0x1F400] =	vst v63  }
0x6b: {  	_ =	swait.ge [sflag:s28], $0x6400  }
0x6c: {  	[sflag:s28] =	ssyncset.done $0x0  }
0x6d: {  	s2 =	rddreg [dreg:$0x6];
	[sflag:s28] =	ssyncadd.s32 $0xFFFF9C00  }
0x6e: {  	[hbm4b:s2+s21] =	stream.strided.scatter [tilespmem:s19], [sflag:$0x7], $0x6400, s22, s21, $0x38;
	[tilespmem:$0x1F400] =	vst v63  }
0x6f: {  	_ =	swait.ge [sflag:s30], $0x6400  }
0x70: {  	[sflag:s30] =	ssyncset.done $0x0  }
0x71: {  	s23 =	rddreg [dreg:$0x7];
	[sflag:s30] =	ssyncadd.s32 $0xFFFF9C00  }
0x72: {  	[hbm4b:s23+s21] =	stream.strided.scatter [tilespmem:s24], [sflag:$0x8], $0x6400, s22, s21, $0x38;
	[tilespmem:$0x1F400] =	vst v63  }
0x73: {  	_ =	swait.ge [sflag:s26], $0x6400  }
0x74: {  	[sflag:s26] =	ssyncset.done $0x0  }
0x75: {  	[sflag:s26] =	ssyncadd.s32 $0xFFFF9C00  }
0x76: {  	_ =	swait.ge [sflag:s29], $0x6400  }
0x77: {  	[sflag:s29] =	ssyncset.done $0x0  }
0x78: {  	s0 =	sadd.s32 $0x1, s0;
	[sflag:s29] =	ssyncadd.s32 $0xFFFF9C00  }
0x79: {  	p0 =	sne.s32 s0, s9;
	_ =	swait.ge [sflag:s31], $0x6400  }
.Ltmp1:
0x7a: {  	[sflag:s31] =	ssyncset.done $0x0;
	(pc) =	sbr.rel @p0 .LBB2_1-.Ltmp1, $4  }
0x7b: {  	[sflag:s31] =	ssyncadd.s32 $0xFFFF9C00  }
0x7c: {  	_ =	swait.ge [sflag:s1], $0x6400  }
0x7d: {  	[sflag:s1] =	ssyncset.done $0x0  }
0x7e: {  	[sflag:s1] =	ssyncadd.s32 $0xFFFF9C00  }
0x7f: {  	_ =	sfence.sel $0x180000  }
0x80: {  	[bflag:$0x0] =	sbarrier.arrive $0xFFFF  }
0x81: {  	_ =	strace $0x90000047  }
0x82: {  	s0 =	stileid.u32;
	[bflag:$0x2] =	sbarrier.arrive $0xFFFF  }
0x83: {  	p0 =	sne.s32 s0, $0x0;
	s0 =	rddreg [dreg:$0x2]  }
0x84: {  	s0 =	sadd.s32 @!p0 $0x100000, s0  }
0x85: {  	[sflag:s0] =	ssyncadd.tile.s32 @!p0 $0x1;
	_ =	shalt  }
.Lfunc_end2:
_tile_overlayer_lowered:
.L_overlay_start_2:
0x86: {  	(tag) =	ssettag $0x2  }
0x87: {  	s0 =	rddreg [dreg:$0x0];
	s2 =	stileid.u32  }
0x88: {  	s1 =	rddreg [dreg:$0x1];
	p0 =	sne.s32 s2, $0x0  }
0x89: {  	s3 =	rddreg [dreg:$0x2];
	[bflag:$0x3] =	sbarrier.arrive $0xFFFF;
	s2 =	simm.s32 @!p0 $0x1C09  }
0x8a: {  	[timem:s3], [sflag:s2] =	dma.local @!p0 [hbm:s0], s1  }
0x8b: {  	s0 =	simm.s32 @!p0 $0x9  }
0x8c: {  	_ =	swait.ge @!p0 [sflag:s0], s1  }
0x8d: {  	s1 =	ssub.s32 @!p0 $0x0, s1;
	[sflag:s0] =	ssyncset.done @!p0 $0x0  }
0x8e: {  	[sflag:s0] =	ssyncadd.s32 @!p0 s1  }
0x8f: {  	[bflag:$0x3] =	sbarrier.arrive $0xFFFF  }
0x90: {  	_ =	shalt  }

// kernel: sparse-core-data-format-call.cloned.1.call-start
scs
called_computation_lowered:
.L_overlay_start_0:
0x0: {  	s2 =	sld [smem:$0x3FD9]  }
0x1: {  	s3 =	sld [smem:$0x3FFE];
	_ =	sdelay $0x1  }
0x2: {  	s1 =	srdreg.scid  }
0x3: {  	s0 =	sand.u32 $0x1, s1  }
0x4: {  	s18 =	sshll.u32 s0, $0xA;
	s2 =	sadd.s32 s3, s2  }
0x5: {  	s2 =	sadd.s32 s2, s18  }
0x6: {  	[smem:$0x3FC6] =	sst s2  }
0x7: {  	_ = 	snop  }
0x8: {  	s2 =	sld [smem:$0x3FD0];
	(tm) =	ssettm $0x1  }
0x9: {  	s19 =	sld [smem:$0x3FFB];
	_ =	sdelay $0x3  }
0xa: {  	_ =	strace s19  }
0xb: {  	s3 =	sld [smem:$0x3FFC];
	_ =	sdelay $0x3  }
0xc: {  	_ =	strace s3  }
0xd: {  	s3 =	sld [smem:$0x3FFD];
	_ =	sdelay $0x3  }
0xe: {  	_ =	strace s3  }
0xf: {  	_ =	strace $0x8FFFFFFF  }
0x10: {  	s20 =	sld [smem:$0x3FDB];
	_ =	sdelay $0x1  }
0x11: {  	s4 =	simm.s32 $_scs_section_size  }
0x12: {  	s5 =	simm.s32 $_size__tile_overlayer_lowered;
	s6 =	simm.s32 $_tile_overlayer_lowered  }
0x13: {  	s23 =	simm.s32 $0x1BFF;
	s22 =	sshll.u32 s6, $0x1;
	s3 =	sadd.s32 s4, s20  }
0x14: {  	s7 =	simm.s32 $0x0;
	s21 =	sshll.u32 s5, $0x1;
	s5 =	sadd.s32 s22, s3  }
0x15: {  	[timem:s7], [sflag:s23] =	dma.local [hbm:s5], s21  }
0x16: {  	_ =	swait.ge [sflag:s23], s21  }
0x17: {  	s4 =	ssub.s32 $0x0, s21;
	[sflag:s23] =	ssyncset.done $0x0  }
0x18: {  	[sflag:s23] =	ssyncadd.s32 s4;
	_ =	sdelay $0x1  }
0x19: {  	s24 =	simm.s32 $0x1B8B  }
0x1a: {  	_ =	swait.ge [sflag:s24], $0x1  }
0x1b: {  	[sflag:s24] =	ssyncset.done $0x0  }
0x1c: {  	s26 =	simm.s32 $0x1B8E;
	s25 =	sld [smem:$0x3FFE];
	[sflag:s24] =	ssyncadd.s32 $0xFFFFFFFF  }
0x1d: {  	s27 =	simm.s32 $execute0_lowered;
	[smem:$0x3FD2] =	sst s26  }
0x1e: {  	s5 =	sshll.u32 s27, $0x1;
	_ =	strace $0x80000049;
	[dreg:$0x1] =	wrdreg $0xFFFFFFFF  }
0x1f: {  	s28 =	simm.s32 $_size_execute0_lowered;
	s3 =	sadd.s32 s3, s5;
	[dreg:$0x0] =	wrdreg $0x0  }
0x20: {  	s5 =	sshll.u32 s28, $0x1;
	[dreg:$0x2] =	wrdreg s3  }
0x21: {  	[dreg:$0x3] =	wrdreg s5  }
0x22: {  	[dreg:$0x4] =	wrdreg $0xC0  }
0x23: {  	_ =	task [dreg:s7], $0x5FFFF  }
0x24: {  	[dreg:$0x1] =	wrdreg $0xFFFFFFFF  }
0x25: {  	[dreg:$0x0] =	wrdreg $0x60  }
0x26: {  	[dreg:$0x2] =	wrdreg s25  }
0x27: {  	[dreg:$0x3] =	wrdreg s2  }
0x28: {  	[dreg:$0x4] =	wrdreg $0x9  }
0x29: {  	_ =	task.clear_ibuf [dreg:s7], $0x5FFFF;
	_ =	strace $0x90000049  }
0x2a: {  	s29 =	simm.s32 $0x9;
	_ =	strace $0x8000004B  }
0x2b: {  	_ =	swait.ge [sflag:s29], $0x1  }
0x2c: {  	[sflag:s29] =	ssyncadd.s32 $0xFFFFFFFF  }
0x2d: {  	_ =	strace $0x9000004B  }
0x2e: {  	_ =	sfence  }
0x2f: {  	s30 =	sld [smem:$0x0];
	_ =	sdelay $0x2  }
0x30: {  	s31 =	sshll.u32 s1, $0xD;
	s1 =	sshrl.u32 s1, $0x2  }
0x31: {  	s3 =	sand.u32 $0x4000, s31;
	s1 =	sadd.s32 s1, s30  }
0x32: {  	s0 =	sor.u32 s3, s0;
	s1 =	sshll.u32 s1, $0x11  }
0x33: {  	s0 =	sor.u32 s1, s0  }
0x34: {  	s0 =	sadd.s32 $0x8F2B, s0  }
0x35: {  	[sflag:s0] =	ssyncadd.remote.s32 $0x1  }
0x36: {  	_ =	sfence.sel $0xFFFF  }
0x37: {  	[dreg:$0x0] =	wrdreg $0xFFFFFFFF;
	(pc) =	sbr.abs _section_cstart, $3  }
0x38: {  	[dreg:$0x1] =	wrdreg $0xFFFFFFFF  }
0x39: {  	_ =	task.clear_ibuf [dreg:s7], $0x2FFFF;
	_ =	strace $0x9FFFFFFF  }
0x3a: {  	(tm) =	ssettm $0x7FFFFFFF  }
0x3b: {  	_ =	shalt  }
tec
execute0_lowered:
.L_overlay_start_1:
0x0: {  	(tag) =	ssettag $0x1  }
0x1: {  	s0 =	srdreg.scid  }
0x2: {  	s1 =	sshll.u32 s0, $0x4  }
0x3: {  	s0 =	stileid.u32;
	s1 =	sand.u32 $0x10, s1  }
0x4: {  	s1 =	sor.u32 s0, s1  }
0x5: {  	s6 =	rddreg [dreg:$0x0];
	s4 =	simm.s32 $0x1;
	s2 =	sshll.u32 s1, $0x7  }
0x6: {  	s7 =	simm.s32 $0x2;
	s12 =	simm.s32 $0x0;
	s1 =	ssub.s32 $0x1000, s2  }
0x7: {  	s8 =	simm.s32 $0x8000;
	s13 =	simm.s32 $0x0;
	s3 =	sand.u32 $0xF80, s1  }
0x8: {  	s9 =	simm.s32 $0x0;
	s5 =	sshrl.u32 s1, $0xC;
	p0 =	sne.s32 s3, $0x0  }
.Ltmp0:
0x9: {  	s1 =	rddreg [dreg:$0x2];
	s4 =	simm.s32 @!p0 $0x0;
	(pc) =	sbr.rel .LBB1_1-.Ltmp0, $4  }
0xa: {  	s11 =	simm.s32 $0x0;
	s3 =	rddreg [dreg:$0x1];
	s5 =	sadd.s32 s4, s5  }
0xb: {  	_ =	strace $0x8000004A;
	s4 =	simm.s32 $0x1;
	s5 =	smul.u32 $0xC8, s5  }
0xc: {  	s6 =	sadd.s32 $0xA00, s6;
	s10 =	smov.u32 s2;
	[sflag:s4] =	ssyncpa.u1 $0x0  }
0xd: {  	p0 =	por $0x0, $0x0;
	[sflag:s7] =	ssyncpa.u1 $0x0;
	s7 =	sor.u32 $0x1, s5  }
.LBB1_4:
0xe: {  	s16 =	sshll.u32 s13, $0x3;
	s17 =	sand.u32 $0x78, s13  }
0xf: {  	s30 =	sand.u32 $0x7E00, s13;
	s12 =	sshll.u32 s12, $0xF;
	s16 =	sand.u32 $0xC00, s16  }
0x10: {  	[tilespmem:s15+$0x810 ss:$0x81] =	vst.msk $0xffff, v2;
	s31 =	sand.u32 $0x7, s13;
	s16 =	sor.u32 s17, s16;
	s17 =	sadd.s32 s3, s30  }
0x11: {  	[tilespmem:s15+$0x1020 ss:$0x81] =	vst.msk $0xffff, v0;
	s13 =	sshll.u32 s31, $0x12;
	s12 =	sadd.s32 s12, s17;
	s16 =	sshrl.u32 s16, $0x3  }
0x12: {  	[tilespmem:s15+$0x0 ss:$0x81] =	vst.msk $0xffff, v1;
	s13 =	sor.u32 $0x400, s13;
	s12 =	sadd.s32 s16, s12  }
0x13: {  	[hbm4b:s12+s13] =	stream.strided.scatter [tilespmem:s14], [sflag:$0x2], $0x2000, s8, s13, $0x20;
	[tilespmem:$0x8080] =	vst v63  }
.LBB1_5:
0x14: {  	s14 =	sadd.s32 $0x1, s9  }
0x15: {  	s12 =	sadd.s32 $0x1000, s10;
	s16 =	smov.u32 s10;
	p2 =	sgt.s32 s14, $0xC7  }
0x16: {  	s16 =	smov.u32 @p2 s12  }
0x17: {  	s14 =	simm.s32 @p2 $0x0;
	p2 =	sgt.s32 s16, $0xFFF  }
0x18: {  	s16 =	smov.u32 @p2 s2;
	p2 =	sne.s32 s11, s7  }
.Ltmp1:
0x19: {  	p1 =	slt.u32 s11, $0x2;
	(pc) =	sbr.rel @!p2 .LBB1_6-.Ltmp1, $4  }
0x1a: {  	s15 =	simm.s32 @!p1 $0x2  }
0x1b: {  	s13 =	smov.u32 s10;
	p0 =	por !p0, !p0;
	_ =	swait.ge @!p1 [sflag:s15], $0x2000  }
0x1c: {  	s12 =	smov.u32 s9;
	[sflag:s15] =	ssyncset.done @!p1 $0x0;
	s9 =	smov.u32 s14  }
0x1d: {  	s11 =	sadd.s32 $0x1, s11;
	[sflag:s15] =	ssyncadd.s32 @!p1 $0xFFFFE000;
	s10 =	smov.u32 s16  }
.LBB1_1:
0x1e: {  	p1 =	sge.u32 s11, s5  }
0x1f: {  	s14 =	sand.u32 @!p1 $0x1FFFFFF, s9  }
0x20: {  	s15 =	smulhi.u32 @!p1 $0x147AE15, s14;
	_ =	sdelay $0x1  }
0x21: {  	s15 =	smul.u32 @!p1 $0xC8, s15  }
0x22: {  	s16 =	sxor.u32 @!p1 $0xFFFFFFFF, s11;
	s17 =	smul.u32 @!p1 $0xC80, s10  }
0x23: {  	s31 =	sadd.s32 $0xFFFFFFFF, s11;
	s16 =	sshll.u32 @!p1 s16, $0xD;
	s14 =	ssub.s32 @!p1 s14, s15  }
0x24: {  	s15 =	sand.u32 @!p1 $0x2000, s16;
	s16 =	sadd.s32 @!p1 s6, s17;
	s14 =	sshll.u32 @!p1 s14, $0x4  }
0x25: {  	s17 =	simm.s32 @!p1 $0x6400;
	s14 =	sadd.s32 @!p1 s14, s16;
	s16 =	simm.s32 @!p1 $0x40  }
0x26: {  	[tilespmem:s15], [sflag:$0x1] =	stream.strided.gather @!p1 [hbm4b:s14+s16], $0x2000, s17, s16, $0x38;
	[tilespmem:$0x8080] =	vst v63  }
0x27: {  	p1 =	sge.u32 s31, s5  }
.Ltmp2:
0x28: {  	_ = 	snop;
	(pc) =	sbr.rel @p1 .LBB1_5-.Ltmp2, $1  }
0x29: {  	_ =	sdelay $0x3  }
0x2a: {  	s14 =	simm.s32 $0x1  }
0x2b: {  	_ =	swait.ge [sflag:s4], $0x2000;
	s14 =	simm.s32 @!p0 $0x0  }
0x2c: {  	[sflag:s4] =	ssyncset.done $0x0;
	s15 =	sshll.u32 s14, $0xD  }
0x2d: {  	[sflag:s4] =	ssyncadd.s32 $0xFFFFE000;
	s18 =	sor.u32 $0x20, s15  }
0x2e: {  	s14 =	smul.u32 $0x8100, s14;
	v3 =	vld [tilespmem:s18+$0x10]  }
0x2f: {  	s30 =	sand.u32 $0x1, s11;
	v2 =	vld [tilespmem:s18+$0xFFFFFFF0]  }
0x30: {  	s15 =	smul.u32 $0x8100, s30;
	s14 =	sshrl.u32 s14, $0x2;
	v0 =	vld [tilespmem:s18+$0x0]  }
0x31: {  	v1 =	vld [tilespmem:s18+$0xFFFFFFE0];
	s16 =	sor.u32 $0x4000, s14  }
0x32: {  	s31 =	sshrl.u32 s15, $0x2;
	s15 =	sadd.s32 $0x0, s16  }
0x33: {  	s17 =	simm.s32 $0x4;
	s18 =	sadd.s32 $0x40, s18;
	s14 =	sor.u32 $0x4000, s31;
	[tilespmem:s15+$0x1830 ss:$0x81] =	vst.msk $0xffff, v3  }
.LBB1_3:
0x34: {  	v3 =	vld [tilespmem:s18+$0x10];
	p1 =	sne.s32 s17, $0x1FC;
	[tilespmem:s15+$0x810 ss:$0x81] =	vst.msk $0xffff, v2;
	s19 =	smov.u32 s17;
	s17 =	sadd.s32 $0x4, s17  }
.Ltmp3:
0x35: {  	v2 =	vld [tilespmem:s18+$0xFFFFFFF0];
	[tilespmem:s15+$0x1020 ss:$0x81] =	vst.msk $0xffff, v0;
	(pc) =	sbr.rel @p1 .LBB1_3-.Ltmp3, $4  }
0x36: {  	v0 =	vld [tilespmem:s18+$0x0];
	[tilespmem:s15+$0x0 ss:$0x81] =	vst.msk $0xffff, v1  }
0x37: {  	s15 =	sshra.s32 s19, $0x2;
	v1 =	vld [tilespmem:s18+$0xFFFFFFE0]  }
0x38: {  	s15 =	sadd.s32 s15, s16  }
0x39: {  	s18 =	sadd.s32 $0x40, s18;
	[tilespmem:s15+$0x1830 ss:$0x81] =	vst.msk $0xffff, v3  }
.Ltmp4:
0x3a: {  	_ = 	snop;
	(pc) =	sbr.rel .LBB1_4-.Ltmp4, $1  }
0x3b: {  	_ =	sdelay $0x3  }
.LBB1_6:
0x3c: {  	_ =	sfence.sel $0x180000  }
0x3d: {  	s2 =	simm.s32 $0x1;
	[bflag:$0x0] =	sbarrier.arrive $0xFFFF  }
0x3e: {  	s31 =	simm.s32 $0x2;
	[sflag:s2] =	ssyncpa.u1 $0x1  }
0x3f: {  	[sflag:s31] =	ssyncpa.u1 $0x1  }
0x40: {  	p0 =	sne.s32 s0, $0x0;
	_ =	strace $0x9000004A  }
0x41: {  	s0 =	sadd.s32 @!p0 $0x100000, s1;
	[bflag:$0x2] =	sbarrier.arrive $0xFFFF  }
0x42: {  	[sflag:s0] =	ssyncadd.tile.s32 @!p0 $0x1;
	_ =	shalt  }
.Lfunc_end1:
_tile_overlayer_lowered:
.L_overlay_start_2:
0x43: {  	(tag) =	ssettag $0x2  }
0x44: {  	s0 =	rddreg [dreg:$0x0];
	s2 =	stileid.u32  }
0x45: {  	s1 =	rddreg [dreg:$0x1];
	p0 =	sne.s32 s2, $0x0  }
0x46: {  	s3 =	rddreg [dreg:$0x2];
	[bflag:$0x3] =	sbarrier.arrive $0xFFFF;
	s2 =	simm.s32 @!p0 $0x1C01  }
0x47: {  	[timem:s3], [sflag:s2] =	dma.local @!p0 [hbm:s0], s1  }
0x48: {  	s0 =	simm.s32 @!p0 $0x1  }
0x49: {  	_ =	swait.ge @!p0 [sflag:s0], s1  }
0x4a: {  	s1 =	ssub.s32 @!p0 $0x0, s1;
	[sflag:s0] =	ssyncset.done @!p0 $0x0  }
0x4b: {  	[sflag:s0] =	ssyncadd.s32 @!p0 s1  }
0x4c: {  	[bflag:$0x3] =	sbarrier.arrive $0xFFFF  }
0x4d: {  	_ =	shalt  }

</sc_bundles>
